<compile_context>
chip_gen: v7x
topology: tpu7x:2x2x1
jax: 0.10.2.dev20260603
libtpu: 0.0.44.dev20260713+nightly
codegen_flags: <defaults>
</compile_context>

<pallas_src>
import functools

import jax
import jax.numpy as jnp
from jax import lax
from jax.experimental import pallas as pl
from jax.experimental.pallas import tpu as pltpu
from jax.experimental.pallas import tpu_sc as plsc

B = 32
N = 1024
C = 64
K = 16
EPS = 1e-5
M = B * N * K
BN = B * N
CNT_EDGE = float(M)
CNT_PT = float(BN)

_PREC = lax.Precision.HIGHEST


def _knn_body(points_ref, out_ref):
    b = pl.program_id(0)
    x = points_ref[0]
    xx = jnp.sum(x * x, axis=0, keepdims=True)
    xtx = lax.dot_general(x, x, (((0,), (0,)), ((), ())),
                          preferred_element_type=jnp.float32)
    inner = -2.0 * xtx
    pd = (-xx - inner) - jnp.swapaxes(xx, 0, 1)
    iota = lax.broadcasted_iota(jnp.int32, (N, N), 1)
    base = b * N
    cols = []
    for t in range(K + 1):
        m = jnp.max(pd, axis=1, keepdims=True)
        sel = pd == m
        cand = jnp.min(jnp.where(sel, iota, jnp.int32(1 << 30)),
                       axis=1, keepdims=True)
        if t > 0:
            cols.append(cand + base)
        if t < K:
            pd = jnp.where(iota == cand, -jnp.inf, pd)
    out_ref[0] = jnp.concatenate(cols, axis=1)


def _knn(points):
    return pl.pallas_call(
        _knn_body,
        grid=(B,),
        in_specs=[pl.BlockSpec((1, 3, N), lambda b: (b, 0, 0))],
        out_specs=pl.BlockSpec((1, N, K), lambda b: (b, 0, 0)),
        out_shape=jax.ShapeDtypeStruct((B, N, K), jnp.int32),
    )(points)


def _prep_body(f_ref, a_ref, bm_ref, wsc_ref, u_ref, v_ref, sc_ref, scst_ref):
    b = pl.program_id(0)
    f = f_ref[0]

    def proj(w):
        return lax.dot_general(f, w, (((0,), (1,)), ((), ())),
                               preferred_element_type=jnp.float32,
                               precision=_PREC)

    u_ref[0] = proj(a_ref[...])
    v_ref[0] = proj(bm_ref[...])
    sc = proj(wsc_ref[...])
    sc_ref[0] = sc

    @pl.when(b == 0)
    def _():
        scst_ref[...] = jnp.zeros_like(scst_ref)

    s = jnp.sum(sc, axis=0, keepdims=True)
    ss = jnp.sum(sc * sc, axis=0, keepdims=True)
    scst_ref[...] += jnp.concatenate([s, ss], axis=0)


def _prep(features, A, Bm, Wsc):
    return pl.pallas_call(
        _prep_body,
        grid=(B,),
        in_specs=[
            pl.BlockSpec((1, C, N), lambda b: (b, 0, 0)),
            pl.BlockSpec((C, C), lambda b: (0, 0)),
            pl.BlockSpec((C, C), lambda b: (0, 0)),
            pl.BlockSpec((C, C), lambda b: (0, 0)),
        ],
        out_specs=[
            pl.BlockSpec((1, N, C), lambda b: (b, 0, 0)),
            pl.BlockSpec((1, N, C), lambda b: (b, 0, 0)),
            pl.BlockSpec((1, N, C), lambda b: (b, 0, 0)),
            pl.BlockSpec((2, C), lambda b: (0, 0)),
        ],
        out_shape=[
            jax.ShapeDtypeStruct((B, N, C), jnp.float32),
            jax.ShapeDtypeStruct((B, N, C), jnp.float32),
            jax.ShapeDtypeStruct((B, N, C), jnp.float32),
            jax.ShapeDtypeStruct((2, C), jnp.float32),
        ],
    )(features, A, Bm, Wsc)


_SC_CHUNK = 128


def _sc_gather(vt_flat, idxf):
    info = plsc.get_sparse_core_info()
    nc, ns = info.num_cores, info.num_subcores
    nw = nc * ns
    rows_per_w = M // nw
    iters = rows_per_w // _SC_CHUNK
    mesh = plsc.VectorSubcoreMesh(core_axis_name="c", subcore_axis_name="s")

    @functools.partial(
        pl.kernel, mesh=mesh,
        compiler_params=pltpu.CompilerParams(use_tc_tiling_on_sc=False),
        out_type=jax.ShapeDtypeStruct((M, C), jnp.float32),
        scratch_types=[
            pltpu.VMEM((_SC_CHUNK,), jnp.int32),
            pltpu.VMEM((_SC_CHUNK, C), jnp.float32),
            pltpu.SemaphoreType.DMA,
        ],
    )
    def k(vt_hbm, idx_hbm, out_hbm, idx_v, rows_v, sem):
        wid = lax.axis_index("s") * nc + lax.axis_index("c")
        base = wid * rows_per_w

        def body(i, carry):
            off = base + i * _SC_CHUNK
            pltpu.sync_copy(idx_hbm.at[pl.ds(off, _SC_CHUNK)], idx_v)
            pltpu.async_copy(vt_hbm.at[idx_v], rows_v, sem).wait()
            pltpu.sync_copy(rows_v, out_hbm.at[pl.ds(off, _SC_CHUNK)])
            return carry

        lax.fori_loop(0, iters, body, 0)

    return k(vt_flat, idxf)


def _bn_affine(st_ref, g, b, cnt):
    s = st_ref[0, :]
    ss = st_ref[1, :]
    mean = s / cnt
    var = ss / cnt - mean * mean
    inv = g * lax.rsqrt(var + EPS)
    return inv.reshape(1, C), (b - mean * inv).reshape(1, C)


_ROWS = 2048
_PTS = _ROWS // K
_STEPS = M // _ROWS


def _acc_stats(st_ref, y, first):
    @pl.when(first)
    def _():
        st_ref[...] = jnp.zeros_like(st_ref)

    s = jnp.sum(y, axis=0, keepdims=True)
    ss = jnp.sum(y * y, axis=0, keepdims=True)
    st_ref[...] += jnp.concatenate([s, ss], axis=0)


def _edge_in_specs(extra):
    return [
        pl.BlockSpec((_ROWS, C), lambda i: (i, 0)),
        pl.BlockSpec((_PTS, C), lambda i: (i, 0)),
    ] + extra


def _stat_spec():
    return pl.BlockSpec((2, C), lambda i: (0, 0))


def _w_spec():
    return pl.BlockSpec((C, C), lambda i: (0, 0))


def _p_spec():
    return pl.BlockSpec((8, C), lambda i: (0, 0))


def _y1(e_ref, u_ref):
    e3 = e_ref[...].reshape(_PTS, K, C)
    y1 = e3 + u_ref[...].reshape(_PTS, 1, C)
    return y1.reshape(_ROWS, C)


def _st1_body(e_ref, u_ref, st_ref):
    _acc_stats(st_ref, _y1(e_ref, u_ref), pl.program_id(0) == 0)


def _st1(E, Ut):
    return pl.pallas_call(
        _st1_body,
        grid=(_STEPS,),
        in_specs=_edge_in_specs([]),
        out_specs=_stat_spec(),
        out_shape=jax.ShapeDtypeStruct((2, C), jnp.float32),
    )(E, Ut)


def _mm(z, w_ref):
    return lax.dot_general(z, w_ref[...], (((1,), (1,)), ((), ())),
                           preferred_element_type=jnp.float32,
                           precision=_PREC)


def _st2_body(e_ref, u_ref, st1_ref, w1_ref, p_ref, st_ref):
    s0, t0 = _bn_affine(st1_ref, p_ref[0, :], p_ref[1, :], CNT_EDGE)
    z1 = jax.nn.relu(_y1(e_ref, u_ref) * s0 + t0)
    y2 = _mm(z1, w1_ref)
    _acc_stats(st_ref, y2, pl.program_id(0) == 0)


def _st2(E, Ut, st1, W1, P):
    return pl.pallas_call(
        _st2_body,
        grid=(_STEPS,),
        in_specs=_edge_in_specs([_stat_spec(), _w_spec(), _p_spec()]),
        out_specs=_stat_spec(),
        out_shape=jax.ShapeDtypeStruct((2, C), jnp.float32),
    )(E, Ut, st1, W1, P)


def _st3_body(e_ref, u_ref, st1_ref, st2_ref, w1_ref, w2_ref, p_ref, st_ref):
    s0, t0 = _bn_affine(st1_ref, p_ref[0, :], p_ref[1, :], CNT_EDGE)
    s1, t1 = _bn_affine(st2_ref, p_ref[2, :], p_ref[3, :], CNT_EDGE)
    z1 = jax.nn.relu(_y1(e_ref, u_ref) * s0 + t0)
    z2 = jax.nn.relu(_mm(z1, w1_ref) * s1 + t1)
    y3 = _mm(z2, w2_ref)
    _acc_stats(st_ref, y3, pl.program_id(0) == 0)


def _st3(E, Ut, st1, st2, W1, W2, P):
    return pl.pallas_call(
        _st3_body,
        grid=(_STEPS,),
        in_specs=_edge_in_specs([_stat_spec(), _stat_spec(), _w_spec(),
                                 _w_spec(), _p_spec()]),
        out_specs=_stat_spec(),
        out_shape=jax.ShapeDtypeStruct((2, C), jnp.float32),
    )(E, Ut, st1, st2, W1, W2, P)


def _fin_body(e_ref, u_ref, sct_ref, st1_ref, st2_ref, st3_ref, scst_ref,
              w1_ref, w2_ref, p_ref, out_ref):
    s0, t0 = _bn_affine(st1_ref, p_ref[0, :], p_ref[1, :], CNT_EDGE)
    s1, t1 = _bn_affine(st2_ref, p_ref[2, :], p_ref[3, :], CNT_EDGE)
    s2, t2 = _bn_affine(st3_ref, p_ref[4, :], p_ref[5, :], CNT_EDGE)
    ssc, tsc = _bn_affine(scst_ref, p_ref[6, :], p_ref[7, :], CNT_PT)
    z1 = jax.nn.relu(_y1(e_ref, u_ref) * s0 + t0)
    z2 = jax.nn.relu(_mm(z1, w1_ref) * s1 + t1)
    z3 = jax.nn.relu(_mm(z2, w2_ref) * s2 + t2)
    fts = jnp.mean(z3.reshape(_PTS, K, C), axis=1)
    sc = sct_ref[...] * ssc + tsc
    res = jax.nn.relu(sc + fts)
    out_ref[0] = jnp.swapaxes(res, 0, 1)


def _final(E, Ut, SCt, st1, st2, st3, scst, W1, W2, P):
    return pl.pallas_call(
        _fin_body,
        grid=(_STEPS,),
        in_specs=_edge_in_specs([
            pl.BlockSpec((_PTS, C), lambda i: (i, 0)),
            _stat_spec(), _stat_spec(), _stat_spec(), _stat_spec(),
            _w_spec(), _w_spec(), _p_spec(),
        ]),
        out_specs=pl.BlockSpec((1, C, _PTS), lambda i: (i // 8, 0, i % 8)),
        out_shape=jax.ShapeDtypeStruct((B, C, N), jnp.float32),
    )(E, Ut, SCt, st1, st2, st3, scst, W1, W2, P)


def kernel(points, features, W0, W1, W2, Wsc, g0, b0, g1, b1, g2, b2, gsc, bsc):
    A = W0[:, :C] - W0[:, C:]
    Bm = W0[:, C:]
    P = jnp.stack([g0, b0, g1, b1, g2, b2, gsc, bsc])

    idx = _knn(points)
    Ut, Vt, SCt, scst = _prep(features, A, Bm, Wsc)
    idxf = idx.reshape(-1)
    vt_flat = Vt.reshape(BN, C)
    ut_flat = Ut.reshape(BN, C)
    sct_flat = SCt.reshape(BN, C)

    E = _sc_gather(vt_flat, idxf)

    st1 = _st1(E, ut_flat)
    st2 = _st2(E, ut_flat, st1, W1, P)
    st3 = _st3(E, ut_flat, st1, st2, W1, W2, P)
    return _final(E, ut_flat, sct_flat, st1, st2, st3, scst, W1, W2, P)

# --- scband reference (transcript-rebuilt; emitter-appended) ---
"""Pipeline reference for scband-edge-conv-block-70334384439906 (READ-ONLY COPY).

The authoritative reference and input builder live on the scoring server;
editing this copy changes nothing except your own understanding.
"""

import jax, jax.numpy as jnp
import numpy as np

K = 16
EPS = 1e-5

def knn(x, k):
    inner = -2.0 * jnp.matmul(jnp.swapaxes(x, 2, 1), x)
    xx = jnp.sum(x ** 2, axis=1, keepdims=True)
    pairwise_distance = -xx - inner - jnp.swapaxes(xx, 2, 1)
    _, idx = jax.lax.top_k(pairwise_distance, k + 1)
    return idx[:, :, 1:]

def get_graph_feature(x, k, idx):
    batch_size, num_dims, num_points = x.shape
    idx_base = jnp.arange(0, batch_size).reshape(-1, 1, 1) * num_points
    idx = (idx + idx_base).reshape(-1)
    fts = jnp.swapaxes(x, 2, 1).reshape(-1, num_dims)
    fts = fts[idx, :].reshape(batch_size, num_points, k, num_dims)
    fts = jnp.transpose(fts, (0, 3, 1, 2))
    xe = jnp.broadcast_to(x[:, :, :, None], (batch_size, num_dims, num_points, k))
    return jnp.concatenate([xe, fts - xe], axis=1)

def bn2d(x, g, b):
    m = jnp.mean(x, axis=(0, 2, 3), keepdims=True)
    v = jnp.mean((x - m) ** 2, axis=(0, 2, 3), keepdims=True)
    xn = (x - m) / jnp.sqrt(v + EPS)
    return xn * g.reshape(1, -1, 1, 1) + b.reshape(1, -1, 1, 1)

def bn1d(x, g, b):
    m = jnp.mean(x, axis=(0, 2), keepdims=True)
    v = jnp.mean((x - m) ** 2, axis=(0, 2), keepdims=True)
    xn = (x - m) / jnp.sqrt(v + EPS)
    return xn * g.reshape(1, -1, 1) + b.reshape(1, -1, 1)

def setup_inputs(seed: int = 0) -> dict:
    key = jax.random.key(seed)
    ks = jax.random.split(key, 8)
    points = jax.random.normal(ks[0], (32, 3, 1024), dtype=jnp.float32)
    features = jax.random.normal(ks[1], (32, 64, 1024), dtype=jnp.float32)
    W0 = jax.random.normal(ks[2], (64, 128), dtype=jnp.float32) * 0.08
    W1 = jax.random.normal(ks[3], (64, 64), dtype=jnp.float32) * 0.12
    W2 = jax.random.normal(ks[4], (64, 64), dtype=jnp.float32) * 0.12
    Wsc = jax.random.normal(ks[5], (64, 64), dtype=jnp.float32) * 0.12
    ones = jnp.ones((64,), dtype=jnp.float32)
    zeros = jnp.zeros((64,), dtype=jnp.float32)
    return {"points": points, "features": features, "W0": W0, "W1": W1, "W2": W2,
            "Wsc": Wsc, "g0": ones, "b0": zeros, "g1": ones, "b1": zeros,
            "g2": ones, "b2": zeros, "gsc": ones, "bsc": zeros}

def reference(points, features, W0, W1, W2, Wsc, g0, b0, g1, b1, g2, b2, gsc, bsc):
    topk_indices = knn(points, K)
    x = get_graph_feature(features, K, topk_indices)
    x = jnp.einsum('oi,bihw->bohw', W0, x)
    x = jax.nn.relu(bn2d(x, g0, b0))
    x = jnp.einsum('oi,bihw->bohw', W1, x)
    x = jax.nn.relu(bn2d(x, g1, b1))
    x = jnp.einsum('oi,bihw->bohw', W2, x)
    x = jax.nn.relu(bn2d(x, g2, b2))
    fts = jnp.mean(x, axis=-1)
    sc = jnp.einsum('oi,bin->bon', Wsc, features)
    sc = bn1d(sc, gsc, bsc)
    return jax.nn.relu(sc + fts)

if __name__ == "__main__":
    import jax
    _d = setup_inputs()
    print(jax.jit(kernel)(*tuple(_d.values())))

</pallas_src>

<mosaic_0001>
#map = affine_map<(d0, d1) -> (0, 0)>
#map1 = affine_map<(d0, d1) -> (0)>
module attributes {stable_mosaic.version = 14 : i64} {
  func.func @k(%arg0: i32, %arg1: i32, %arg2: memref<32768x64xf32, #tpu.memory_space<hbm>>, %arg3: memref<524288xi32, #tpu.memory_space<hbm>>, %arg4: memref<524288x64xf32, #tpu.memory_space<hbm>>, %arg5: memref<128xi32, #tpu.memory_space<vmem>>, %arg6: memref<128x64xf32, #tpu.memory_space<vmem>>, %arg7: memref<!tpu.dma_semaphore, #tpu.memory_space<semaphore_mem>>) attributes {dimension_semantics = [#tpu.dimension_semantics<core_parallel>, #tpu.dimension_semantics<subcore_parallel>], iteration_bounds = array<i64: 2, 16>, scalar_prefetch = 0 : i64, scratch_operands = 3 : i64, tpu.core_type = #tpu.core_type<sc_vector_subcore>, window_params = [{transform_indices = #map}, {transform_indices = #map1}, {transform_indices = #map}]} {
    %mul3A = arith.constant 2 : i32
    %mul3A_0 = arith.muli %arg1, %mul3A : i32
    %add3A = arith.addi %mul3A_0, %arg0 : i32
    %mul3A_1 = arith.constant 16384 : i32
    %mul3A_2 = arith.muli %add3A, %mul3A_1 : i32
    %scan3A = arith.constant 0 : i32
    %scan3A_3 = arith.constant 0 : i32
    %scan3A_4 = arith.constant 128 : i32
    %scan3A_5 = arith.addi %scan3A_3, %scan3A_4 : i32
    %scan3A_6 = arith.constant 1 : i32
    scf.for %scan3A_8 = %scan3A_3 to %scan3A_5 step %scan3A_6  : i32 {
      %mul3A_9 = arith.constant 128 : i32
      %mul3A_10 = arith.muli %scan3A_8, %mul3A_9 : i32
      %add3A_11 = arith.addi %mul3A_2, %mul3A_10 : i32
      "tpu.region"() ({
        %run_scoped3A = tpu.sem_alloc : memref<!tpu.dma_semaphore, #tpu.memory_space<semaphore_mem>>
        %dma_start3A_16 = tpu.memref_slice %arg3[%add3A_11] : memref<524288xi32, #tpu.memory_space<hbm>> -> memref<128xi32, #tpu.memory_space<hbm>>
        %dma_start3A_17 = tpu.memref_slice %arg3[%add3A_11] : memref<524288xi32, #tpu.memory_space<hbm>> -> memref<128xi32, #tpu.memory_space<hbm>>
        tpu.enqueue_dma source(%dma_start3A_17 : memref<128xi32, #tpu.memory_space<hbm>>) target(%arg5 : memref<128xi32, #tpu.memory_space<vmem>>) target_semaphore(%run_scoped3A : memref<!tpu.dma_semaphore, #tpu.memory_space<semaphore_mem>>)
        %dma_wait3A_18 = tpu.memref_slice %arg3[%add3A_11] : memref<524288xi32, #tpu.memory_space<hbm>> -> memref<128xi32, #tpu.memory_space<hbm>>
        %dma_wait3A_19 = tpu.memref_slice %arg3[%add3A_11] : memref<524288xi32, #tpu.memory_space<hbm>> -> memref<128xi32, #tpu.memory_space<hbm>>
        tpu.wait_dma2 semaphore(%run_scoped3A : memref<!tpu.dma_semaphore, #tpu.memory_space<semaphore_mem>>) src(%dma_wait3A_19 : memref<128xi32, #tpu.memory_space<hbm>>) dst(%arg5 : memref<128xi32, #tpu.memory_space<vmem>>)
        tpu.yield
      }) : () -> ()
      %dma_start3A = arith.constant 0 : i32
      %dma_start3A_12 = arith.constant 0 : i32
      %dma_start3A_13 = tpu.memref_slice %arg2[%dma_start3A, %dma_start3A_12] : memref<32768x64xf32, #tpu.memory_space<hbm>> -> memref<32768x64xf32, #tpu.memory_space<hbm>>
      tpu.enqueue_indirect_dma source(%dma_start3A_13 : memref<32768x64xf32, #tpu.memory_space<hbm>>) target(%arg6 : memref<128x64xf32, #tpu.memory_space<vmem>>) offsets(%arg5 : memref<128xi32, #tpu.memory_space<vmem>>) semaphore(%arg7 : memref<!tpu.dma_semaphore, #tpu.memory_space<semaphore_mem>>)
      %dma_wait3A = arith.constant 0 : i32
      %dma_wait3A_14 = arith.constant 0 : i32
      %dma_wait3A_15 = tpu.memref_slice %arg2[%dma_wait3A, %dma_wait3A_14] : memref<32768x64xf32, #tpu.memory_space<hbm>> -> memref<32768x64xf32, #tpu.memory_space<hbm>>
      tpu.wait_indirect_dma semaphore(%arg7 : memref<!tpu.dma_semaphore, #tpu.memory_space<semaphore_mem>>) src(%dma_wait3A_15 : memref<32768x64xf32, #tpu.memory_space<hbm>>) dst(%arg6 : memref<128x64xf32, #tpu.memory_space<vmem>>)
      "tpu.region"() ({
        %run_scoped3A = tpu.sem_alloc : memref<!tpu.dma_semaphore, #tpu.memory_space<semaphore_mem>>
        %dma_start3A_16 = arith.constant 0 : i32
        %dma_start3A_17 = tpu.memref_slice %arg4[%add3A_11, %dma_start3A_16] : memref<524288x64xf32, #tpu.memory_space<hbm>> -> memref<128x64xf32, #tpu.memory_space<hbm>>
        %dma_start3A_18 = arith.constant 0 : i32
        %dma_start3A_19 = tpu.memref_slice %arg4[%add3A_11, %dma_start3A_18] : memref<524288x64xf32, #tpu.memory_space<hbm>> -> memref<128x64xf32, #tpu.memory_space<hbm>>
        tpu.enqueue_dma source(%arg6 : memref<128x64xf32, #tpu.memory_space<vmem>>) target(%dma_start3A_19 : memref<128x64xf32, #tpu.memory_space<hbm>>) target_semaphore(%run_scoped3A : memref<!tpu.dma_semaphore, #tpu.memory_space<semaphore_mem>>)
        %dma_wait3A_20 = arith.constant 0 : i32
        %dma_wait3A_21 = tpu.memref_slice %arg4[%add3A_11, %dma_wait3A_20] : memref<524288x64xf32, #tpu.memory_space<hbm>> -> memref<128x64xf32, #tpu.memory_space<hbm>>
        %dma_wait3A_22 = arith.constant 0 : i32
        %dma_wait3A_23 = tpu.memref_slice %arg4[%add3A_11, %dma_wait3A_22] : memref<524288x64xf32, #tpu.memory_space<hbm>> -> memref<128x64xf32, #tpu.memory_space<hbm>>
        tpu.wait_dma2 semaphore(%run_scoped3A : memref<!tpu.dma_semaphore, #tpu.memory_space<semaphore_mem>>) src(%arg6 : memref<128x64xf32, #tpu.memory_space<vmem>>) dst(%dma_wait3A_23 : memref<128x64xf32, #tpu.memory_space<hbm>>)
        tpu.yield
      }) : () -> ()
    }
    %scan3A_7 = arith.constant 128 : i32
    return
  }
}

module attributes {stable_mosaic.version = 14 : i64} {
  func.func @_prep_body(%arg0: i32, %arg1: memref<1x64x1024xf32, #tpu.memory_space<vmem>>, %arg2: memref<64x64xf32, #tpu.memory_space<vmem>>, %arg3: memref<64x64xf32, #tpu.memory_space<vmem>>, %arg4: memref<64x64xf32, #tpu.memory_space<vmem>>, %arg5: memref<1x1024x64xf32, #tpu.memory_space<vmem>>, %arg6: memref<1x1024x64xf32, #tpu.memory_space<vmem>>, %arg7: memref<1x1024x64xf32, #tpu.memory_space<vmem>>, %arg8: memref<2x64xf32, #tpu.memory_space<vmem>>) attributes {dimension_semantics = [#tpu.dimension_semantics<arbitrary>], iteration_bounds = array<i64: 32>, scalar_prefetch = 0 : i64, scratch_operands = 0 : i64, tpu.core_type = #tpu.core_type<tc>, window_params = [{transform_indices = @transform_0, window_bounds = array<i64: 1, 64, 1024>}, {pipeline_mode = #tpu.pipeline_mode<synchronous>, transform_indices = @transform_1, window_bounds = array<i64: 64, 64>}, {pipeline_mode = #tpu.pipeline_mode<synchronous>, transform_indices = @transform_2, window_bounds = array<i64: 64, 64>}, {pipeline_mode = #tpu.pipeline_mode<synchronous>, transform_indices = @transform_3, window_bounds = array<i64: 64, 64>}, {transform_indices = @transform_4, window_bounds = array<i64: 1, 1024, 64>}, {transform_indices = @transform_5, window_bounds = array<i64: 1, 1024, 64>}, {transform_indices = @transform_6, window_bounds = array<i64: 1, 1024, 64>}, {pipeline_mode = #tpu.pipeline_mode<synchronous>, transform_indices = @transform_7, window_bounds = array<i64: 2, 64>}]} {
    %get3A = arith.constant 0 : index
    %get3A_0 = arith.constant 0 : index
    %get3A_1 = arith.constant 0 : index
    %get3A_2 = vector.load %arg1[%get3A, %get3A_0, %get3A_1] : memref<1x64x1024xf32, #tpu.memory_space<vmem>>, vector<1x64x1024xf32>
    %get3A_3 = vector.shape_cast %get3A_2 : vector<1x64x1024xf32> to vector<64x1024xf32>
    %get3A_4 = arith.constant 0 : index
    %get3A_5 = arith.constant 0 : index
    %get3A_6 = vector.load %arg2[%get3A_4, %get3A_5] : memref<64x64xf32, #tpu.memory_space<vmem>>, vector<64x64xf32>
    %dot_general3A = arith.constant dense<0.000000e+00> : vector<1024x64xf32>
    %dot_general3A_7 = tpu.matmul %get3A_3, %get3A_6, %dot_general3A {dimension_numbers = #tpu.dot_dimension_numbers<[0], [1], [1], [0], [0, 1, 1, 0], [], []>, precision = #tpu.contract_precision<fp32>, transpose_lhs_hint = false} : vector<64x1024xf32>, vector<64x64xf32>, vector<1024x64xf32> -> vector<1024x64xf32>
    %swap3A = arith.constant 0 : index
    %swap3A_8 = arith.constant 0 : index
    %swap3A_9 = arith.constant 0 : index
    %swap3A_10 = vector.load %arg5[%swap3A, %swap3A_8, %swap3A_9] : memref<1x1024x64xf32, #tpu.memory_space<vmem>>, vector<1x1024x64xf32>
    %swap3A_11 = vector.shape_cast %swap3A_10 : vector<1x1024x64xf32> to vector<1024x64xf32>
    %swap3A_12 = vector.shape_cast %dot_general3A_7 : vector<1024x64xf32> to vector<1x1024x64xf32>
    tpu.vector_store %arg5[%swap3A, %swap3A_8, %swap3A_9], %swap3A_12 {strides = array<i32>} : memref<1x1024x64xf32, #tpu.memory_space<vmem>>, vector<1x1024x64xf32>,
    %get3A_13 = arith.constant 0 : index
    %get3A_14 = arith.constant 0 : index
    %get3A_15 = vector.load %arg3[%get3A_13, %get3A_14] : memref<64x64xf32, #tpu.memory_space<vmem>>, vector<64x64xf32>
    %dot_general3A_16 = arith.constant dense<0.000000e+00> : vector<1024x64xf32>
    %dot_general3A_17 = tpu.matmul %get3A_3, %get3A_15, %dot_general3A_16 {dimension_numbers = #tpu.dot_dimension_numbers<[0], [1], [1], [0], [0, 1, 1, 0], [], []>, precision = #tpu.contract_precision<fp32>, transpose_lhs_hint = false} : vector<64x1024xf32>, vector<64x64xf32>, vector<1024x64xf32> -> vector<1024x64xf32>
    %swap3A_18 = arith.constant 0 : index
    %swap3A_19 = arith.constant 0 : index
    %swap3A_20 = arith.constant 0 : index
    %swap3A_21 = vector.load %arg6[%swap3A_18, %swap3A_19, %swap3A_20] : memref<1x1024x64xf32, #tpu.memory_space<vmem>>, vector<1x1024x64xf32>
    %swap3A_22 = vector.shape_cast %swap3A_21 : vector<1x1024x64xf32> to vector<1024x64xf32>
    %swap3A_23 = vector.shape_cast %dot_general3A_17 : vector<1024x64xf32> to vector<1x1024x64xf32>
    tpu.vector_store %arg6[%swap3A_18, %swap3A_19, %swap3A_20], %swap3A_23 {strides = array<i32>} : memref<1x1024x64xf32, #tpu.memory_space<vmem>>, vector<1x1024x64xf32>,
    %get3A_24 = arith.constant 0 : index
    %get3A_25 = arith.constant 0 : index
    %get3A_26 = vector.load %arg4[%get3A_24, %get3A_25] : memref<64x64xf32, #tpu.memory_space<vmem>>, vector<64x64xf32>
    %dot_general3A_27 = arith.constant dense<0.000000e+00> : vector<1024x64xf32>
    %dot_general3A_28 = tpu.matmul %get3A_3, %get3A_26, %dot_general3A_27 {dimension_numbers = #tpu.dot_dimension_numbers<[0], [1], [1], [0], [0, 1, 1, 0], [], []>, precision = #tpu.contract_precision<fp32>, transpose_lhs_hint = false} : vector<64x1024xf32>, vector<64x64xf32>, vector<1024x64xf32> -> vector<1024x64xf32>
    %swap3A_29 = arith.constant 0 : index
    %swap3A_30 = arith.constant 0 : index
    %swap3A_31 = arith.constant 0 : index
    %swap3A_32 = vector.load %arg7[%swap3A_29, %swap3A_30, %swap3A_31] : memref<1x1024x64xf32, #tpu.memory_space<vmem>>, vector<1x1024x64xf32>
    %swap3A_33 = vector.shape_cast %swap3A_32 : vector<1x1024x64xf32> to vector<1024x64xf32>
    %swap3A_34 = vector.shape_cast %dot_general3A_28 : vector<1024x64xf32> to vector<1x1024x64xf32>
    tpu.vector_store %arg7[%swap3A_29, %swap3A_30, %swap3A_31], %swap3A_34 {strides = array<i32>} : memref<1x1024x64xf32, #tpu.memory_space<vmem>>, vector<1x1024x64xf32>,
    %eq3A = arith.constant 0 : i32
    %eq3A_35 = arith.cmpi eq, %arg0, %eq3A : i32
    %convert_element_type3A = arith.extui %eq3A_35 : i1 to i32
    %cond3A = arith.constant 0 : i32
    %cond3A_36 = arith.cmpi ne, %convert_element_type3A, %cond3A : i32
    scf.if %cond3A_36 {
      %broadcast_in_dim3A_47 = arith.constant 0.000000e+00 : f32
      %broadcast_in_dim3A_48 = vector.broadcast %broadcast_in_dim3A_47 : f32 to vector<2x64xf32>
      %swap3A_49 = arith.constant 0 : index
      %swap3A_50 = arith.constant 0 : index
      %swap3A_51 = vector.load %arg8[%swap3A_49, %swap3A_50] : memref<2x64xf32, #tpu.memory_space<vmem>>, vector<2x64xf32>
      tpu.vector_store %arg8[%swap3A_49, %swap3A_50], %broadcast_in_dim3A_48 {strides = array<i32>} : memref<2x64xf32, #tpu.memory_space<vmem>>, vector<2x64xf32>,
    } else {
    }
    %reduce_sum3A = arith.constant dense<0.000000e+00> : vector<64xf32>
    %reduce_sum3A_37 = vector.multi_reduction <add>, %dot_general3A_28, %reduce_sum3A [0] : vector<1024x64xf32> to vector<64xf32>
    %broadcast_in_dim3A = vector.shape_cast %reduce_sum3A_37 : vector<64xf32> to vector<1x64xf32>
    %mul3A = arith.mulf %dot_general3A_28, %dot_general3A_28 : vector<1024x64xf32>
    %reduce_sum3A_38 = arith.constant dense<0.000000e+00> : vector<64xf32>
    %reduce_sum3A_39 = vector.multi_reduction <add>, %mul3A, %reduce_sum3A_38 [0] : vector<1024x64xf32> to vector<64xf32>
    %broadcast_in_dim3A_40 = vector.shape_cast %reduce_sum3A_39 : vector<64xf32> to vector<1x64xf32>
    %get3A_41 = arith.constant 0 : index
    %get3A_42 = arith.constant 0 : index
    %get3A_43 = vector.load %arg8[%get3A_41, %get3A_42] : memref<2x64xf32, #tpu.memory_space<vmem>>, vector<2x64xf32>
    %concatenate3A = tpu.concatenate %broadcast_in_dim3A, %broadcast_in_dim3A_40 in 0 : vector<1x64xf32>, vector<1x64xf32> -> vector<2x64xf32>
    %add3A = arith.addf %get3A_43, %concatenate3A : vector<2x64xf32>
    %swap3A_44 = arith.constant 0 : index
    %swap3A_45 = arith.constant 0 : index
    %swap3A_46 = vector.load %arg8[%swap3A_44, %swap3A_45] : memref<2x64xf32, #tpu.memory_space<vmem>>, vector<2x64xf32>
    tpu.vector_store %arg8[%swap3A_44, %swap3A_45], %add3A {strides = array<i32>} : memref<2x64xf32, #tpu.memory_space<vmem>>, vector<2x64xf32>,
    return
  }
  func.func @transform_0(%arg0: i32) -> (i32, i32, i32) {
    %c0_i32 = arith.constant 0 : i32
    %c0_i32_0 = arith.constant 0 : i32
    %c0_i32_1 = arith.constant 0 : i32
    return %arg0, %c0_i32, %c0_i32_0 : i32, i32, i32
  }
  func.func @transform_1(%arg0: i32) -> (i32, i32) {
    %c0_i32 = arith.constant 0 : i32
    %c0_i32_0 = arith.constant 0 : i32
    %c0_i32_1 = arith.constant 0 : i32
    return %c0_i32, %c0_i32_0 : i32, i32
  }
  func.func @transform_2(%arg0: i32) -> (i32, i32) {
    %c0_i32 = arith.constant 0 : i32
    %c0_i32_0 = arith.constant 0 : i32
    %c0_i32_1 = arith.constant 0 : i32
    return %c0_i32, %c0_i32_0 : i32, i32
  }
  func.func @transform_3(%arg0: i32) -> (i32, i32) {
    %c0_i32 = arith.constant 0 : i32
    %c0_i32_0 = arith.constant 0 : i32
    %c0_i32_1 = arith.constant 0 : i32
    return %c0_i32, %c0_i32_0 : i32, i32
  }
  func.func @transform_4(%arg0: i32) -> (i32, i32, i32) {
    %c0_i32 = arith.constant 0 : i32
    %c0_i32_0 = arith.constant 0 : i32
    %c0_i32_1 = arith.constant 0 : i32
    return %arg0, %c0_i32, %c0_i32_0 : i32, i32, i32
  }
  func.func @transform_5(%arg0: i32) -> (i32, i32, i32) {
    %c0_i32 = arith.constant 0 : i32
    %c0_i32_0 = arith.constant 0 : i32
    %c0_i32_1 = arith.constant 0 : i32
    return %arg0, %c0_i32, %c0_i32_0 : i32, i32, i32
  }
  func.func @transform_6(%arg0: i32) -> (i32, i32, i32) {
    %c0_i32 = arith.constant 0 : i32
    %c0_i32_0 = arith.constant 0 : i32
    %c0_i32_1 = arith.constant 0 : i32
    return %arg0, %c0_i32, %c0_i32_0 : i32, i32, i32
  }
  func.func @transform_7(%arg0: i32) -> (i32, i32) {
    %c0_i32 = arith.constant 0 : i32
    %c0_i32_0 = arith.constant 0 : i32
    %c0_i32_1 = arith.constant 0 : i32
    return %c0_i32, %c0_i32_0 : i32, i32
  }
}

module attributes {stable_mosaic.version = 14 : i64} {
  func.func @_knn_body(%arg0: i32, %arg1: memref<1x3x1024xf32, #tpu.memory_space<vmem>>, %arg2: memref<1x1024x16xi32, #tpu.memory_space<vmem>>) attributes {dimension_semantics = [#tpu.dimension_semantics<arbitrary>], iteration_bounds = array<i64: 32>, scalar_prefetch = 0 : i64, scratch_operands = 0 : i64, tpu.core_type = #tpu.core_type<tc>, window_params = [{transform_indices = @transform_0, window_bounds = array<i64: 1, 3, 1024>}, {transform_indices = @transform_1, window_bounds = array<i64: 1, 1024, 16>}]} {
    %get3A = arith.constant 0 : index
    %get3A_0 = arith.constant 0 : index
    %get3A_1 = arith.constant 0 : index
    %get3A_2 = vector.load %arg1[%get3A, %get3A_0, %get3A_1] : memref<1x3x1024xf32, #tpu.memory_space<vmem>>, vector<1x3x1024xf32>
    %get3A_3 = vector.shape_cast %get3A_2 : vector<1x3x1024xf32> to vector<3x1024xf32>
    %mul3A = arith.mulf %get3A_3, %get3A_3 : vector<3x1024xf32>
    %reduce_sum3A = arith.constant dense<0.000000e+00> : vector<1024xf32>
    %reduce_sum3A_4 = vector.multi_reduction <add>, %mul3A, %reduce_sum3A [0] : vector<3x1024xf32> to vector<1024xf32>
    %broadcast_in_dim3A = vector.shape_cast %reduce_sum3A_4 : vector<1024xf32> to vector<1x1024xf32>
    %dot_general3A = arith.constant dense<0.000000e+00> : vector<1024x1024xf32>
    %dot_general3A_5 = tpu.matmul %get3A_3, %get3A_3, %dot_general3A {dimension_numbers = #tpu.dot_dimension_numbers<[0], [0], [1], [1], [0, 1, 1, 1], [], []>, transpose_lhs_hint = false} : vector<3x1024xf32>, vector<3x1024xf32>, vector<1024x1024xf32> -> vector<1024x1024xf32>
    %mul3A_6 = arith.constant -2.000000e+00 : f32
    %mul3A_7 = vector.broadcast %mul3A_6 : f32 to vector<1024x1024xf32>
    %mul3A_8 = arith.mulf %mul3A_7, %dot_general3A_5 : vector<1024x1024xf32>
    %neg3A = arith.constant 0.000000e+00 : f32
    %neg3A_9 = vector.broadcast %neg3A : f32 to vector<1x1024xf32>
    %neg3A_10 = arith.subf %neg3A_9, %broadcast_in_dim3A : vector<1x1024xf32>
    %sub3A = vector.broadcast %neg3A_10 : vector<1x1024xf32> to vector<1024x1024xf32>
    %sub3A_11 = arith.subf %sub3A, %mul3A_8 : vector<1024x1024xf32>
    %transpose3A = tpu.transpose %broadcast_in_dim3A, [1, 0] : vector<1x1024xf32> -> vector<1024x1xf32>
    %sub3A_12 = vector.broadcast %transpose3A : vector<1024x1xf32> to vector<1024x1024xf32>
    %sub3A_13 = arith.subf %sub3A_11, %sub3A_12 : vector<1024x1024xf32>
    %iota3A = tpu.iota {dimensions = array<i32: 1>} : vector<1024x1024xi32>
    %mul3A_14 = arith.constant 1024 : i32
    %mul3A_15 = arith.muli %arg0, %mul3A_14 : i32
    %reduce_max3A = arith.constant dense<0xFF800000> : vector<1024xf32>
    %reduce_max3A_16 = vector.multi_reduction <maximumf>, %sub3A_13, %reduce_max3A [1] : vector<1024x1024xf32> to vector<1024xf32>
    %broadcast_in_dim3A_17 = vector.shape_cast %reduce_max3A_16 : vector<1024xf32> to vector<1024x1xf32>
    %eq3A = vector.broadcast %broadcast_in_dim3A_17 : vector<1024x1xf32> to vector<1024x1024xf32>
    %eq3A_18 = arith.cmpf oeq, %sub3A_13, %eq3A : vector<1024x1024xf32>
    %jit3A = arith.constant 1073741824 : i32
    %broadcast_in_dim3A_19 = vector.broadcast %jit3A : i32 to vector<1024x1024xi32>
    %select_n3A = arith.select %eq3A_18, %iota3A, %broadcast_in_dim3A_19 : vector<1024x1024xi1>, vector<1024x1024xi32>
    %reduce_min3A = arith.constant dense<2147483647> : vector<1024xi32>
    %reduce_min3A_20 = vector.multi_reduction <minsi>, %select_n3A, %reduce_min3A [1] : vector<1024x1024xi32> to vector<1024xi32>
    %broadcast_in_dim3A_21 = vector.shape_cast %reduce_min3A_20 : vector<1024xi32> to vector<1024x1xi32>
    %eq3A_22 = vector.broadcast %broadcast_in_dim3A_21 : vector<1024x1xi32> to vector<1024x1024xi32>
    %eq3A_23 = arith.cmpi eq, %iota3A, %eq3A_22 : vector<1024x1024xi32>
    %jit3A_24 = arith.constant 0xFF800000 : f32
    %broadcast_in_dim3A_25 = vector.broadcast %jit3A_24 : f32 to vector<1024x1024xf32>
    %select_n3A_26 = arith.select %eq3A_23, %broadcast_in_dim3A_25, %sub3A_13 : vector<1024x1024xi1>, vector<1024x1024xf32>
    %reduce_max3A_27 = arith.constant dense<0xFF800000> : vector<1024xf32>
    %reduce_max3A_28 = vector.multi_reduction <maximumf>, %select_n3A_26, %reduce_max3A_27 [1] : vector<1024x1024xf32> to vector<1024xf32>
    %broadcast_in_dim3A_29 = vector.shape_cast %reduce_max3A_28 : vector<1024xf32> to vector<1024x1xf32>
    %eq3A_30 = vector.broadcast %broadcast_in_dim3A_29 : vector<1024x1xf32> to vector<1024x1024xf32>
    %eq3A_31 = arith.cmpf oeq, %select_n3A_26, %eq3A_30 : vector<1024x1024xf32>
    %jit3A_32 = arith.constant 1073741824 : i32
    %broadcast_in_dim3A_33 = vector.broadcast %jit3A_32 : i32 to vector<1024x1024xi32>
    %select_n3A_34 = arith.select %eq3A_31, %iota3A, %broadcast_in_dim3A_33 : vector<1024x1024xi1>, vector<1024x1024xi32>
    %reduce_min3A_35 = arith.constant dense<2147483647> : vector<1024xi32>
    %reduce_min3A_36 = vector.multi_reduction <minsi>, %select_n3A_34, %reduce_min3A_35 [1] : vector<1024x1024xi32> to vector<1024xi32>
    %broadcast_in_dim3A_37 = vector.shape_cast %reduce_min3A_36 : vector<1024xi32> to vector<1024x1xi32>
    %add3A = vector.broadcast %mul3A_15 : i32 to vector<1024x1xi32>
    %add3A_38 = arith.addi %broadcast_in_dim3A_37, %add3A : vector<1024x1xi32>
    %eq3A_39 = vector.broadcast %broadcast_in_dim3A_37 : vector<1024x1xi32> to vector<1024x1024xi32>
    %eq3A_40 = arith.cmpi eq, %iota3A, %eq3A_39 : vector<1024x1024xi32>
    %jit3A_41 = arith.constant 0xFF800000 : f32
    %broadcast_in_dim3A_42 = vector.broadcast %jit3A_41 : f32 to vector<1024x1024xf32>
    %select_n3A_43 = arith.select %eq3A_40, %broadcast_in_dim3A_42, %select_n3A_26 : vector<1024x1024xi1>, vector<1024x1024xf32>
    %reduce_max3A_44 = arith.constant dense<0xFF800000> : vector<1024xf32>
    %reduce_max3A_45 = vector.multi_reduction <maximumf>, %select_n3A_43, %reduce_max3A_44 [1] : vector<1024x1024xf32> to vector<1024xf32>
    %broadcast_in_dim3A_46 = vector.shape_cast %reduce_max3A_45 : vector<1024xf32> to vector<1024x1xf32>
    %eq3A_47 = vector.broadcast %broadcast_in_dim3A_46 : vector<1024x1xf32> to vector<1024x1024xf32>
    %eq3A_48 = arith.cmpf oeq, %select_n3A_43, %eq3A_47 : vector<1024x1024xf32>
    %jit3A_49 = arith.constant 1073741824 : i32
    %broadcast_in_dim3A_50 = vector.broadcast %jit3A_49 : i32 to vector<1024x1024xi32>
    %select_n3A_51 = arith.select %eq3A_48, %iota3A, %broadcast_in_dim3A_50 : vector<1024x1024xi1>, vector<1024x1024xi32>
    %reduce_min3A_52 = arith.constant dense<2147483647> : vector<1024xi32>
    %reduce_min3A_53 = vector.multi_reduction <minsi>, %select_n3A_51, %reduce_min3A_52 [1] : vector<1024x1024xi32> to vector<1024xi32>
    %broadcast_in_dim3A_54 = vector.shape_cast %reduce_min3A_53 : vector<1024xi32> to vector<1024x1xi32>
    %add3A_55 = vector.broadcast %mul3A_15 : i32 to vector<1024x1xi32>
    %add3A_56 = arith.addi %broadcast_in_dim3A_54, %add3A_55 : vector<1024x1xi32>
    %eq3A_57 = vector.broadcast %broadcast_in_dim3A_54 : vector<1024x1xi32> to vector<1024x1024xi32>
    %eq3A_58 = arith.cmpi eq, %iota3A, %eq3A_57 : vector<1024x1024xi32>
    %jit3A_59 = arith.constant 0xFF800000 : f32
    %broadcast_in_dim3A_60 = vector.broadcast %jit3A_59 : f32 to vector<1024x1024xf32>
    %select_n3A_61 = arith.select %eq3A_58, %broadcast_in_dim3A_60, %select_n3A_43 : vector<1024x1024xi1>, vector<1024x1024xf32>
    %reduce_max3A_62 = arith.constant dense<0xFF800000> : vector<1024xf32>
    %reduce_max3A_63 = vector.multi_reduction <maximumf>, %select_n3A_61, %reduce_max3A_62 [1] : vector<1024x1024xf32> to vector<1024xf32>
    %broadcast_in_dim3A_64 = vector.shape_cast %reduce_max3A_63 : vector<1024xf32> to vector<1024x1xf32>
    %eq3A_65 = vector.broadcast %broadcast_in_dim3A_64 : vector<1024x1xf32> to vector<1024x1024xf32>
    %eq3A_66 = arith.cmpf oeq, %select_n3A_61, %eq3A_65 : vector<1024x1024xf32>
    %jit3A_67 = arith.constant 1073741824 : i32
    %broadcast_in_dim3A_68 = vector.broadcast %jit3A_67 : i32 to vector<1024x1024xi32>
    %select_n3A_69 = arith.select %eq3A_66, %iota3A, %broadcast_in_dim3A_68 : vector<1024x1024xi1>, vector<1024x1024xi32>
    %reduce_min3A_70 = arith.constant dense<2147483647> : vector<1024xi32>
    %reduce_min3A_71 = vector.multi_reduction <minsi>, %select_n3A_69, %reduce_min3A_70 [1] : vector<1024x1024xi32> to vector<1024xi32>
    %broadcast_in_dim3A_72 = vector.shape_cast %reduce_min3A_71 : vector<1024xi32> to vector<1024x1xi32>
    %add3A_73 = vector.broadcast %mul3A_15 : i32 to vector<1024x1xi32>
    %add3A_74 = arith.addi %broadcast_in_dim3A_72, %add3A_73 : vector<1024x1xi32>
    %eq3A_75 = vector.broadcast %broadcast_in_dim3A_72 : vector<1024x1xi32> to vector<1024x1024xi32>
    %eq3A_76 = arith.cmpi eq, %iota3A, %eq3A_75 : vector<1024x1024xi32>
    %jit3A_77 = arith.constant 0xFF800000 : f32
    %broadcast_in_dim3A_78 = vector.broadcast %jit3A_77 : f32 to vector<1024x1024xf32>
    %select_n3A_79 = arith.select %eq3A_76, %broadcast_in_dim3A_78, %select_n3A_61 : vector<1024x1024xi1>, vector<1024x1024xf32>
    %reduce_max3A_80 = arith.constant dense<0xFF800000> : vector<1024xf32>
    %reduce_max3A_81 = vector.multi_reduction <maximumf>, %select_n3A_79, %reduce_max3A_80 [1] : vector<1024x1024xf32> to vector<1024xf32>
    %broadcast_in_dim3A_82 = vector.shape_cast %reduce_max3A_81 : vector<1024xf32> to vector<1024x1xf32>
    %eq3A_83 = vector.broadcast %broadcast_in_dim3A_82 : vector<1024x1xf32> to vector<1024x1024xf32>
    %eq3A_84 = arith.cmpf oeq, %select_n3A_79, %eq3A_83 : vector<1024x1024xf32>
    %jit3A_85 = arith.constant 1073741824 : i32
    %broadcast_in_dim3A_86 = vector.broadcast %jit3A_85 : i32 to vector<1024x1024xi32>
    %select_n3A_87 = arith.select %eq3A_84, %iota3A, %broadcast_in_dim3A_86 : vector<1024x1024xi1>, vector<1024x1024xi32>
    %reduce_min3A_88 = arith.constant dense<2147483647> : vector<1024xi32>
    %reduce_min3A_89 = vector.multi_reduction <minsi>, %select_n3A_87, %reduce_min3A_88 [1] : vector<1024x1024xi32> to vector<1024xi32>
    %broadcast_in_dim3A_90 = vector.shape_cast %reduce_min3A_89 : vector<1024xi32> to vector<1024x1xi32>
    %add3A_91 = vector.broadcast %mul3A_15 : i32 to vector<1024x1xi32>
    %add3A_92 = arith.addi %broadcast_in_dim3A_90, %add3A_91 : vector<1024x1xi32>
    %eq3A_93 = vector.broadcast %broadcast_in_dim3A_90 : vector<1024x1xi32> to vector<1024x1024xi32>
    %eq3A_94 = arith.cmpi eq, %iota3A, %eq3A_93 : vector<1024x1024xi32>
    %jit3A_95 = arith.constant 0xFF800000 : f32
    %broadcast_in_dim3A_96 = vector.broadcast %jit3A_95 : f32 to vector<1024x1024xf32>
    %select_n3A_97 = arith.select %eq3A_94, %broadcast_in_dim3A_96, %select_n3A_79 : vector<1024x1024xi1>, vector<1024x1024xf32>
    %reduce_max3A_98 = arith.constant dense<0xFF800000> : vector<1024xf32>
    %reduce_max3A_99 = vector.multi_reduction <maximumf>, %select_n3A_97, %reduce_max3A_98 [1] : vector<1024x1024xf32> to vector<1024xf32>
    %broadcast_in_dim3A_100 = vector.shape_cast %reduce_max3A_99 : vector<1024xf32> to vector<1024x1xf32>
    %eq3A_101 = vector.broadcast %broadcast_in_dim3A_100 : vector<1024x1xf32> to vector<1024x1024xf32>
    %eq3A_102 = arith.cmpf oeq, %select_n3A_97, %eq3A_101 : vector<1024x1024xf32>
    %jit3A_103 = arith.constant 1073741824 : i32
    %broadcast_in_dim3A_104 = vector.broadcast %jit3A_103 : i32 to vector<1024x1024xi32>
    %select_n3A_105 = arith.select %eq3A_102, %iota3A, %broadcast_in_dim3A_104 : vector<1024x1024xi1>, vector<1024x1024xi32>
    %reduce_min3A_106 = arith.constant dense<2147483647> : vector<1024xi32>
    %reduce_min3A_107 = vector.multi_reduction <minsi>, %select_n3A_105, %reduce_min3A_106 [1] : vector<1024x1024xi32> to vector<1024xi32>
    %broadcast_in_dim3A_108 = vector.shape_cast %reduce_min3A_107 : vector<1024xi32> to vector<1024x1xi32>
    %add3A_109 = vector.broadcast %mul3A_15 : i32 to vector<1024x1xi32>
    %add3A_110 = arith.addi %broadcast_in_dim3A_108, %add3A_109 : vector<1024x1xi32>
    %eq3A_111 = vector.broadcast %broadcast_in_dim3A_108 : vector<1024x1xi32> to vector<1024x1024xi32>
    %eq3A_112 = arith.cmpi eq, %iota3A, %eq3A_111 : vector<1024x1024xi32>
    %jit3A_113 = arith.constant 0xFF800000 : f32
    %broadcast_in_dim3A_114 = vector.broadcast %jit3A_113 : f32 to vector<1024x1024xf32>
    %select_n3A_115 = arith.select %eq3A_112, %broadcast_in_dim3A_114, %select_n3A_97 : vector<1024x1024xi1>, vector<1024x1024xf32>
    %reduce_max3A_116 = arith.constant dense<0xFF800000> : vector<1024xf32>
    %reduce_max3A_117 = vector.multi_reduction <maximumf>, %select_n3A_115, %reduce_max3A_116 [1] : vector<1024x1024xf32> to vector<1024xf32>
    %broadcast_in_dim3A_118 = vector.shape_cast %reduce_max3A_117 : vector<1024xf32> to vector<1024x1xf32>
    %eq3A_119 = vector.broadcast %broadcast_in_dim3A_118 : vector<1024x1xf32> to vector<1024x1024xf32>
    %eq3A_120 = arith.cmpf oeq, %select_n3A_115, %eq3A_119 : vector<1024x1024xf32>
    %jit3A_121 = arith.constant 1073741824 : i32
    %broadcast_in_dim3A_122 = vector.broadcast %jit3A_121 : i32 to vector<1024x1024xi32>
    %select_n3A_123 = arith.select %eq3A_120, %iota3A, %broadcast_in_dim3A_122 : vector<1024x1024xi1>, vector<1024x1024xi32>
    %reduce_min3A_124 = arith.constant dense<2147483647> : vector<1024xi32>
    %reduce_min3A_125 = vector.multi_reduction <minsi>, %select_n3A_123, %reduce_min3A_124 [1] : vector<1024x1024xi32> to vector<1024xi32>
    %broadcast_in_dim3A_126 = vector.shape_cast %reduce_min3A_125 : vector<1024xi32> to vector<1024x1xi32>
    %add3A_127 = vector.broadcast %mul3A_15 : i32 to vector<1024x1xi32>
    %add3A_128 = arith.addi %broadcast_in_dim3A_126, %add3A_127 : vector<1024x1xi32>
    %eq3A_129 = vector.broadcast %broadcast_in_dim3A_126 : vector<1024x1xi32> to vector<1024x1024xi32>
    %eq3A_130 = arith.cmpi eq, %iota3A, %eq3A_129 : vector<1024x1024xi32>
    %jit3A_131 = arith.constant 0xFF800000 : f32
    %broadcast_in_dim3A_132 = vector.broadcast %jit3A_131 : f32 to vector<1024x1024xf32>
    %select_n3A_133 = arith.select %eq3A_130, %broadcast_in_dim3A_132, %select_n3A_115 : vector<1024x1024xi1>, vector<1024x1024xf32>
    %reduce_max3A_134 = arith.constant dense<0xFF800000> : vector<1024xf32>
    %reduce_max3A_135 = vector.multi_reduction <maximumf>, %select_n3A_133, %reduce_max3A_134 [1] : vector<1024x1024xf32> to vector<1024xf32>
    %broadcast_in_dim3A_136 = vector.shape_cast %reduce_max3A_135 : vector<1024xf32> to vector<1024x1xf32>
    %eq3A_137 = vector.broadcast %broadcast_in_dim3A_136 : vector<1024x1xf32> to vector<1024x1024xf32>
    %eq3A_138 = arith.cmpf oeq, %select_n3A_133, %eq3A_137 : vector<1024x1024xf32>
    %jit3A_139 = arith.constant 1073741824 : i32
    %broadcast_in_dim3A_140 = vector.broadcast %jit3A_139 : i32 to vector<1024x1024xi32>
    %select_n3A_141 = arith.select %eq3A_138, %iota3A, %broadcast_in_dim3A_140 : vector<1024x1024xi1>, vector<1024x1024xi32>
    %reduce_min3A_142 = arith.constant dense<2147483647> : vector<1024xi32>
    %reduce_min3A_143 = vector.multi_reduction <minsi>, %select_n3A_141, %reduce_min3A_142 [1] : vector<1024x1024xi32> to vector<1024xi32>
    %broadcast_in_dim3A_144 = vector.shape_cast %reduce_min3A_143 : vector<1024xi32> to vector<1024x1xi32>
    %add3A_145 = vector.broadcast %mul3A_15 : i32 to vector<1024x1xi32>
    %add3A_146 = arith.addi %broadcast_in_dim3A_144, %add3A_145 : vector<1024x1xi32>
    %eq3A_147 = vector.broadcast %broadcast_in_dim3A_144 : vector<1024x1xi32> to vector<1024x1024xi32>
    %eq3A_148 = arith.cmpi eq, %iota3A, %eq3A_147 : vector<1024x1024xi32>
    %jit3A_149 = arith.constant 0xFF800000 : f32
    %broadcast_in_dim3A_150 = vector.broadcast %jit3A_149 : f32 to vector<1024x1024xf32>
    %select_n3A_151 = arith.select %eq3A_148, %broadcast_in_dim3A_150, %select_n3A_133 : vector<1024x1024xi1>, vector<1024x1024xf32>
    %reduce_max3A_152 = arith.constant dense<0xFF800000> : vector<1024xf32>
    %reduce_max3A_153 = vector.multi_reduction <maximumf>, %select_n3A_151, %reduce_max3A_152 [1] : vector<1024x1024xf32> to vector<1024xf32>
    %broadcast_in_dim3A_154 = vector.shape_cast %reduce_max3A_153 : vector<1024xf32> to vector<1024x1xf32>
    %eq3A_155 = vector.broadcast %broadcast_in_dim3A_154 : vector<1024x1xf32> to vector<1024x1024xf32>
    %eq3A_156 = arith.cmpf oeq, %select_n3A_151, %eq3A_155 : vector<1024x1024xf32>
    %jit3A_157 = arith.constant 1073741824 : i32
    %broadcast_in_dim3A_158 = vector.broadcast %jit3A_157 : i32 to vector<1024x1024xi32>
    %select_n3A_159 = arith.select %eq3A_156, %iota3A, %broadcast_in_dim3A_158 : vector<1024x1024xi1>, vector<1024x1024xi32>
    %reduce_min3A_160 = arith.constant dense<2147483647> : vector<1024xi32>
    %reduce_min3A_161 = vector.multi_reduction <minsi>, %select_n3A_159, %reduce_min3A_160 [1] : vector<1024x1024xi32> to vector<1024xi32>
    %broadcast_in_dim3A_162 = vector.shape_cast %reduce_min3A_161 : vector<1024xi32> to vector<1024x1xi32>
    %add3A_163 = vector.broadcast %mul3A_15 : i32 to vector<1024x1xi32>
    %add3A_164 = arith.addi %broadcast_in_dim3A_162, %add3A_163 : vector<1024x1xi32>
    %eq3A_165 = vector.broadcast %broadcast_in_dim3A_162 : vector<1024x1xi32> to vector<1024x1024xi32>
    %eq3A_166 = arith.cmpi eq, %iota3A, %eq3A_165 : vector<1024x1024xi32>
    %jit3A_167 = arith.constant 0xFF800000 : f32
    %broadcast_in_dim3A_168 = vector.broadcast %jit3A_167 : f32 to vector<1024x1024xf32>
    %select_n3A_169 = arith.select %eq3A_166, %broadcast_in_dim3A_168, %select_n3A_151 : vector<1024x1024xi1>, vector<1024x1024xf32>
    %reduce_max3A_170 = arith.constant dense<0xFF800000> : vector<1024xf32>
    %reduce_max3A_171 = vector.multi_reduction <maximumf>, %select_n3A_169, %reduce_max3A_170 [1] : vector<1024x1024xf32> to vector<1024xf32>
    %broadcast_in_dim3A_172 = vector.shape_cast %reduce_max3A_171 : vector<1024xf32> to vector<1024x1xf32>
    %eq3A_173 = vector.broadcast %broadcast_in_dim3A_172 : vector<1024x1xf32> to vector<1024x1024xf32>
    %eq3A_174 = arith.cmpf oeq, %select_n3A_169, %eq3A_173 : vector<1024x1024xf32>
    %jit3A_175 = arith.constant 1073741824 : i32
    %broadcast_in_dim3A_176 = vector.broadcast %jit3A_175 : i32 to vector<1024x1024xi32>
    %select_n3A_177 = arith.select %eq3A_174, %iota3A, %broadcast_in_dim3A_176 : vector<1024x1024xi1>, vector<1024x1024xi32>
    %reduce_min3A_178 = arith.constant dense<2147483647> : vector<1024xi32>
    %reduce_min3A_179 = vector.multi_reduction <minsi>, %select_n3A_177, %reduce_min3A_178 [1] : vector<1024x1024xi32> to vector<1024xi32>
    %broadcast_in_dim3A_180 = vector.shape_cast %reduce_min3A_179 : vector<1024xi32> to vector<1024x1xi32>
    %add3A_181 = vector.broadcast %mul3A_15 : i32 to vector<1024x1xi32>
    %add3A_182 = arith.addi %broadcast_in_dim3A_180, %add3A_181 : vector<1024x1xi32>
    %eq3A_183 = vector.broadcast %broadcast_in_dim3A_180 : vector<1024x1xi32> to vector<1024x1024xi32>
    %eq3A_184 = arith.cmpi eq, %iota3A, %eq3A_183 : vector<1024x1024xi32>
    %jit3A_185 = arith.constant 0xFF800000 : f32
    %broadcast_in_dim3A_186 = vector.broadcast %jit3A_185 : f32 to vector<1024x1024xf32>
    %select_n3A_187 = arith.select %eq3A_184, %broadcast_in_dim3A_186, %select_n3A_169 : vector<1024x1024xi1>, vector<1024x1024xf32>
    %reduce_max3A_188 = arith.constant dense<0xFF800000> : vector<1024xf32>
    %reduce_max3A_189 = vector.multi_reduction <maximumf>, %select_n3A_187, %reduce_max3A_188 [1] : vector<1024x1024xf32> to vector<1024xf32>
    %broadcast_in_dim3A_190 = vector.shape_cast %reduce_max3A_189 : vector<1024xf32> to vector<1024x1xf32>
    %eq3A_191 = vector.broadcast %broadcast_in_dim3A_190 : vector<1024x1xf32> to vector<1024x1024xf32>
    %eq3A_192 = arith.cmpf oeq, %select_n3A_187, %eq3A_191 : vector<1024x1024xf32>
    %jit3A_193 = arith.constant 1073741824 : i32
    %broadcast_in_dim3A_194 = vector.broadcast %jit3A_193 : i32 to vector<1024x1024xi32>
    %select_n3A_195 = arith.select %eq3A_192, %iota3A, %broadcast_in_dim3A_194 : vector<1024x1024xi1>, vector<1024x1024xi32>
    %reduce_min3A_196 = arith.constant dense<2147483647> : vector<1024xi32>
    %reduce_min3A_197 = vector.multi_reduction <minsi>, %select_n3A_195, %reduce_min3A_196 [1] : vector<1024x1024xi32> to vector<1024xi32>
    %broadcast_in_dim3A_198 = vector.shape_cast %reduce_min3A_197 : vector<1024xi32> to vector<1024x1xi32>
    %add3A_199 = vector.broadcast %mul3A_15 : i32 to vector<1024x1xi32>
    %add3A_200 = arith.addi %broadcast_in_dim3A_198, %add3A_199 : vector<1024x1xi32>
    %eq3A_201 = vector.broadcast %broadcast_in_dim3A_198 : vector<1024x1xi32> to vector<1024x1024xi32>
    %eq3A_202 = arith.cmpi eq, %iota3A, %eq3A_201 : vector<1024x1024xi32>
    %jit3A_203 = arith.constant 0xFF800000 : f32
    %broadcast_in_dim3A_204 = vector.broadcast %jit3A_203 : f32 to vector<1024x1024xf32>
    %select_n3A_205 = arith.select %eq3A_202, %broadcast_in_dim3A_204, %select_n3A_187 : vector<1024x1024xi1>, vector<1024x1024xf32>
    %reduce_max3A_206 = arith.constant dense<0xFF800000> : vector<1024xf32>
    %reduce_max3A_207 = vector.multi_reduction <maximumf>, %select_n3A_205, %reduce_max3A_206 [1] : vector<1024x1024xf32> to vector<1024xf32>
    %broadcast_in_dim3A_208 = vector.shape_cast %reduce_max3A_207 : vector<1024xf32> to vector<1024x1xf32>
    %eq3A_209 = vector.broadcast %broadcast_in_dim3A_208 : vector<1024x1xf32> to vector<1024x1024xf32>
    %eq3A_210 = arith.cmpf oeq, %select_n3A_205, %eq3A_209 : vector<1024x1024xf32>
    %jit3A_211 = arith.constant 1073741824 : i32
    %broadcast_in_dim3A_212 = vector.broadcast %jit3A_211 : i32 to vector<1024x1024xi32>
    %select_n3A_213 = arith.select %eq3A_210, %iota3A, %broadcast_in_dim3A_212 : vector<1024x1024xi1>, vector<1024x1024xi32>
    %reduce_min3A_214 = arith.constant dense<2147483647> : vector<1024xi32>
    %reduce_min3A_215 = vector.multi_reduction <minsi>, %select_n3A_213, %reduce_min3A_214 [1] : vector<1024x1024xi32> to vector<1024xi32>
    %broadcast_in_dim3A_216 = vector.shape_cast %reduce_min3A_215 : vector<1024xi32> to vector<1024x1xi32>
    %add3A_217 = vector.broadcast %mul3A_15 : i32 to vector<1024x1xi32>
    %add3A_218 = arith.addi %broadcast_in_dim3A_216, %add3A_217 : vector<1024x1xi32>
    %eq3A_219 = vector.broadcast %broadcast_in_dim3A_216 : vector<1024x1xi32> to vector<1024x1024xi32>
    %eq3A_220 = arith.cmpi eq, %iota3A, %eq3A_219 : vector<1024x1024xi32>
    %jit3A_221 = arith.constant 0xFF800000 : f32
    %broadcast_in_dim3A_222 = vector.broadcast %jit3A_221 : f32 to vector<1024x1024xf32>
    %select_n3A_223 = arith.select %eq3A_220, %broadcast_in_dim3A_222, %select_n3A_205 : vector<1024x1024xi1>, vector<1024x1024xf32>
    %reduce_max3A_224 = arith.constant dense<0xFF800000> : vector<1024xf32>
    %reduce_max3A_225 = vector.multi_reduction <maximumf>, %select_n3A_223, %reduce_max3A_224 [1] : vector<1024x1024xf32> to vector<1024xf32>
    %broadcast_in_dim3A_226 = vector.shape_cast %reduce_max3A_225 : vector<1024xf32> to vector<1024x1xf32>
    %eq3A_227 = vector.broadcast %broadcast_in_dim3A_226 : vector<1024x1xf32> to vector<1024x1024xf32>
    %eq3A_228 = arith.cmpf oeq, %select_n3A_223, %eq3A_227 : vector<1024x1024xf32>
    %jit3A_229 = arith.constant 1073741824 : i32
    %broadcast_in_dim3A_230 = vector.broadcast %jit3A_229 : i32 to vector<1024x1024xi32>
    %select_n3A_231 = arith.select %eq3A_228, %iota3A, %broadcast_in_dim3A_230 : vector<1024x1024xi1>, vector<1024x1024xi32>
    %reduce_min3A_232 = arith.constant dense<2147483647> : vector<1024xi32>
    %reduce_min3A_233 = vector.multi_reduction <minsi>, %select_n3A_231, %reduce_min3A_232 [1] : vector<1024x1024xi32> to vector<1024xi32>
    %broadcast_in_dim3A_234 = vector.shape_cast %reduce_min3A_233 : vector<1024xi32> to vector<1024x1xi32>
    %add3A_235 = vector.broadcast %mul3A_15 : i32 to vector<1024x1xi32>
    %add3A_236 = arith.addi %broadcast_in_dim3A_234, %add3A_235 : vector<1024x1xi32>
    %eq3A_237 = vector.broadcast %broadcast_in_dim3A_234 : vector<1024x1xi32> to vector<1024x1024xi32>
    %eq3A_238 = arith.cmpi eq, %iota3A, %eq3A_237 : vector<1024x1024xi32>
    %jit3A_239 = arith.constant 0xFF800000 : f32
    %broadcast_in_dim3A_240 = vector.broadcast %jit3A_239 : f32 to vector<1024x1024xf32>
    %select_n3A_241 = arith.select %eq3A_238, %broadcast_in_dim3A_240, %select_n3A_223 : vector<1024x1024xi1>, vector<1024x1024xf32>
    %reduce_max3A_242 = arith.constant dense<0xFF800000> : vector<1024xf32>
    %reduce_max3A_243 = vector.multi_reduction <maximumf>, %select_n3A_241, %reduce_max3A_242 [1] : vector<1024x1024xf32> to vector<1024xf32>
    %broadcast_in_dim3A_244 = vector.shape_cast %reduce_max3A_243 : vector<1024xf32> to vector<1024x1xf32>
    %eq3A_245 = vector.broadcast %broadcast_in_dim3A_244 : vector<1024x1xf32> to vector<1024x1024xf32>
    %eq3A_246 = arith.cmpf oeq, %select_n3A_241, %eq3A_245 : vector<1024x1024xf32>
    %jit3A_247 = arith.constant 1073741824 : i32
    %broadcast_in_dim3A_248 = vector.broadcast %jit3A_247 : i32 to vector<1024x1024xi32>
    %select_n3A_249 = arith.select %eq3A_246, %iota3A, %broadcast_in_dim3A_248 : vector<1024x1024xi1>, vector<1024x1024xi32>
    %reduce_min3A_250 = arith.constant dense<2147483647> : vector<1024xi32>
    %reduce_min3A_251 = vector.multi_reduction <minsi>, %select_n3A_249, %reduce_min3A_250 [1] : vector<1024x1024xi32> to vector<1024xi32>
    %broadcast_in_dim3A_252 = vector.shape_cast %reduce_min3A_251 : vector<1024xi32> to vector<1024x1xi32>
    %add3A_253 = vector.broadcast %mul3A_15 : i32 to vector<1024x1xi32>
    %add3A_254 = arith.addi %broadcast_in_dim3A_252, %add3A_253 : vector<1024x1xi32>
    %eq3A_255 = vector.broadcast %broadcast_in_dim3A_252 : vector<1024x1xi32> to vector<1024x1024xi32>
    %eq3A_256 = arith.cmpi eq, %iota3A, %eq3A_255 : vector<1024x1024xi32>
    %jit3A_257 = arith.constant 0xFF800000 : f32
    %broadcast_in_dim3A_258 = vector.broadcast %jit3A_257 : f32 to vector<1024x1024xf32>
    %select_n3A_259 = arith.select %eq3A_256, %broadcast_in_dim3A_258, %select_n3A_241 : vector<1024x1024xi1>, vector<1024x1024xf32>
    %reduce_max3A_260 = arith.constant dense<0xFF800000> : vector<1024xf32>
    %reduce_max3A_261 = vector.multi_reduction <maximumf>, %select_n3A_259, %reduce_max3A_260 [1] : vector<1024x1024xf32> to vector<1024xf32>
    %broadcast_in_dim3A_262 = vector.shape_cast %reduce_max3A_261 : vector<1024xf32> to vector<1024x1xf32>
    %eq3A_263 = vector.broadcast %broadcast_in_dim3A_262 : vector<1024x1xf32> to vector<1024x1024xf32>
    %eq3A_264 = arith.cmpf oeq, %select_n3A_259, %eq3A_263 : vector<1024x1024xf32>
    %jit3A_265 = arith.constant 1073741824 : i32
    %broadcast_in_dim3A_266 = vector.broadcast %jit3A_265 : i32 to vector<1024x1024xi32>
    %select_n3A_267 = arith.select %eq3A_264, %iota3A, %broadcast_in_dim3A_266 : vector<1024x1024xi1>, vector<1024x1024xi32>
    %reduce_min3A_268 = arith.constant dense<2147483647> : vector<1024xi32>
    %reduce_min3A_269 = vector.multi_reduction <minsi>, %select_n3A_267, %reduce_min3A_268 [1] : vector<1024x1024xi32> to vector<1024xi32>
    %broadcast_in_dim3A_270 = vector.shape_cast %reduce_min3A_269 : vector<1024xi32> to vector<1024x1xi32>
    %add3A_271 = vector.broadcast %mul3A_15 : i32 to vector<1024x1xi32>
    %add3A_272 = arith.addi %broadcast_in_dim3A_270, %add3A_271 : vector<1024x1xi32>
    %eq3A_273 = vector.broadcast %broadcast_in_dim3A_270 : vector<1024x1xi32> to vector<1024x1024xi32>
    %eq3A_274 = arith.cmpi eq, %iota3A, %eq3A_273 : vector<1024x1024xi32>
    %jit3A_275 = arith.constant 0xFF800000 : f32
    %broadcast_in_dim3A_276 = vector.broadcast %jit3A_275 : f32 to vector<1024x1024xf32>
    %select_n3A_277 = arith.select %eq3A_274, %broadcast_in_dim3A_276, %select_n3A_259 : vector<1024x1024xi1>, vector<1024x1024xf32>
    %reduce_max3A_278 = arith.constant dense<0xFF800000> : vector<1024xf32>
    %reduce_max3A_279 = vector.multi_reduction <maximumf>, %select_n3A_277, %reduce_max3A_278 [1] : vector<1024x1024xf32> to vector<1024xf32>
    %broadcast_in_dim3A_280 = vector.shape_cast %reduce_max3A_279 : vector<1024xf32> to vector<1024x1xf32>
    %eq3A_281 = vector.broadcast %broadcast_in_dim3A_280 : vector<1024x1xf32> to vector<1024x1024xf32>
    %eq3A_282 = arith.cmpf oeq, %select_n3A_277, %eq3A_281 : vector<1024x1024xf32>
    %jit3A_283 = arith.constant 1073741824 : i32
    %broadcast_in_dim3A_284 = vector.broadcast %jit3A_283 : i32 to vector<1024x1024xi32>
    %select_n3A_285 = arith.select %eq3A_282, %iota3A, %broadcast_in_dim3A_284 : vector<1024x1024xi1>, vector<1024x1024xi32>
    %reduce_min3A_286 = arith.constant dense<2147483647> : vector<1024xi32>
    %reduce_min3A_287 = vector.multi_reduction <minsi>, %select_n3A_285, %reduce_min3A_286 [1] : vector<1024x1024xi32> to vector<1024xi32>
    %broadcast_in_dim3A_288 = vector.shape_cast %reduce_min3A_287 : vector<1024xi32> to vector<1024x1xi32>
    %add3A_289 = vector.broadcast %mul3A_15 : i32 to vector<1024x1xi32>
    %add3A_290 = arith.addi %broadcast_in_dim3A_288, %add3A_289 : vector<1024x1xi32>
    %eq3A_291 = vector.broadcast %broadcast_in_dim3A_288 : vector<1024x1xi32> to vector<1024x1024xi32>
    %eq3A_292 = arith.cmpi eq, %iota3A, %eq3A_291 : vector<1024x1024xi32>
    %jit3A_293 = arith.constant 0xFF800000 : f32
    %broadcast_in_dim3A_294 = vector.broadcast %jit3A_293 : f32 to vector<1024x1024xf32>
    %select_n3A_295 = arith.select %eq3A_292, %broadcast_in_dim3A_294, %select_n3A_277 : vector<1024x1024xi1>, vector<1024x1024xf32>
    %reduce_max3A_296 = arith.constant dense<0xFF800000> : vector<1024xf32>
    %reduce_max3A_297 = vector.multi_reduction <maximumf>, %select_n3A_295, %reduce_max3A_296 [1] : vector<1024x1024xf32> to vector<1024xf32>
    %broadcast_in_dim3A_298 = vector.shape_cast %reduce_max3A_297 : vector<1024xf32> to vector<1024x1xf32>
    %eq3A_299 = vector.broadcast %broadcast_in_dim3A_298 : vector<1024x1xf32> to vector<1024x1024xf32>
    %eq3A_300 = arith.cmpf oeq, %select_n3A_295, %eq3A_299 : vector<1024x1024xf32>
    %jit3A_301 = arith.constant 1073741824 : i32
    %broadcast_in_dim3A_302 = vector.broadcast %jit3A_301 : i32 to vector<1024x1024xi32>
    %select_n3A_303 = arith.select %eq3A_300, %iota3A, %broadcast_in_dim3A_302 : vector<1024x1024xi1>, vector<1024x1024xi32>
    %reduce_min3A_304 = arith.constant dense<2147483647> : vector<1024xi32>
    %reduce_min3A_305 = vector.multi_reduction <minsi>, %select_n3A_303, %reduce_min3A_304 [1] : vector<1024x1024xi32> to vector<1024xi32>
    %broadcast_in_dim3A_306 = vector.shape_cast %reduce_min3A_305 : vector<1024xi32> to vector<1024x1xi32>
    %add3A_307 = vector.broadcast %mul3A_15 : i32 to vector<1024x1xi32>
    %add3A_308 = arith.addi %broadcast_in_dim3A_306, %add3A_307 : vector<1024x1xi32>
    %concatenate3A = tpu.concatenate %add3A_38, %add3A_56, %add3A_74, %add3A_92, %add3A_110, %add3A_128, %add3A_146, %add3A_164, %add3A_182, %add3A_200, %add3A_218, %add3A_236, %add3A_254, %add3A_272, %add3A_290, %add3A_308 in 1 : vector<1024x1xi32>, vector<1024x1xi32>, vector<1024x1xi32>, vector<1024x1xi32>, vector<1024x1xi32>, vector<1024x1xi32>, vector<1024x1xi32>, vector<1024x1xi32>, vector<1024x1xi32>, vector<1024x1xi32>, vector<1024x1xi32>, vector<1024x1xi32>, vector<1024x1xi32>, vector<1024x1xi32>, vector<1024x1xi32>, vector<1024x1xi32> -> vector<1024x16xi32>
    %swap3A = arith.constant 0 : index
    %swap3A_309 = arith.constant 0 : index
    %swap3A_310 = arith.constant 0 : index
    %swap3A_311 = vector.load %arg2[%swap3A, %swap3A_309, %swap3A_310] : memref<1x1024x16xi32, #tpu.memory_space<vmem>>, vector<1x1024x16xi32>
    %swap3A_312 = vector.shape_cast %swap3A_311 : vector<1x1024x16xi32> to vector<1024x16xi32>
    %swap3A_313 = vector.shape_cast %concatenate3A : vector<1024x16xi32> to vector<1x1024x16xi32>
    tpu.vector_store %arg2[%swap3A, %swap3A_309, %swap3A_310], %swap3A_313 {strides = array<i32>} : memref<1x1024x16xi32, #tpu.memory_space<vmem>>, vector<1x1024x16xi32>,
    return
  }
  func.func @transform_0(%arg0: i32) -> (i32, i32, i32) {
    %c0_i32 = arith.constant 0 : i32
    %c0_i32_0 = arith.constant 0 : i32
    %c0_i32_1 = arith.constant 0 : i32
    return %arg0, %c0_i32, %c0_i32_0 : i32, i32, i32
  }
  func.func @transform_1(%arg0: i32) -> (i32, i32, i32) {
    %c0_i32 = arith.constant 0 : i32
    %c0_i32_0 = arith.constant 0 : i32
    %c0_i32_1 = arith.constant 0 : i32
    return %arg0, %c0_i32, %c0_i32_0 : i32, i32, i32
  }
}

module attributes {stable_mosaic.version = 14 : i64} {
  func.func @_st1_body(%arg0: i32, %arg1: memref<2048x64xf32, #tpu.memory_space<vmem>>, %arg2: memref<128x64xf32, #tpu.memory_space<vmem>>, %arg3: memref<2x64xf32, #tpu.memory_space<vmem>>) attributes {dimension_semantics = [#tpu.dimension_semantics<arbitrary>], iteration_bounds = array<i64: 256>, scalar_prefetch = 0 : i64, scratch_operands = 0 : i64, tpu.core_type = #tpu.core_type<tc>, window_params = [{transform_indices = @transform_0, window_bounds = array<i64: 2048, 64>}, {transform_indices = @transform_1, window_bounds = array<i64: 128, 64>}, {pipeline_mode = #tpu.pipeline_mode<synchronous>, transform_indices = @transform_2, window_bounds = array<i64: 2, 64>}]} {
    %get3A = arith.constant 0 : index
    %get3A_0 = arith.constant 0 : index
    %get3A_1 = vector.load %arg1[%get3A, %get3A_0] : memref<2048x64xf32, #tpu.memory_space<vmem>>, vector<2048x64xf32>
    %reshape3A = vector.shape_cast %get3A_1 : vector<2048x64xf32> to vector<128x16x64xf32>
    %get3A_2 = arith.constant 0 : index
    %get3A_3 = arith.constant 0 : index
    %get3A_4 = vector.load %arg2[%get3A_2, %get3A_3] : memref<128x64xf32, #tpu.memory_space<vmem>>, vector<128x64xf32>
    %reshape3A_5 = vector.shape_cast %get3A_4 : vector<128x64xf32> to vector<128x1x64xf32>
    %add3A = vector.broadcast %reshape3A_5 : vector<128x1x64xf32> to vector<128x16x64xf32>
    %add3A_6 = arith.addf %reshape3A, %add3A : vector<128x16x64xf32>
    %reshape3A_7 = vector.shape_cast %add3A_6 : vector<128x16x64xf32> to vector<2048x64xf32>
    %eq3A = arith.constant 0 : i32
    %eq3A_8 = arith.cmpi eq, %arg0, %eq3A : i32
    %convert_element_type3A = arith.extui %eq3A_8 : i1 to i32
    %cond3A = arith.constant 0 : i32
    %cond3A_9 = arith.cmpi ne, %convert_element_type3A, %cond3A : i32
    scf.if %cond3A_9 {
      %broadcast_in_dim3A_20 = arith.constant 0.000000e+00 : f32
      %broadcast_in_dim3A_21 = vector.broadcast %broadcast_in_dim3A_20 : f32 to vector<2x64xf32>
      %swap3A_22 = arith.constant 0 : index
      %swap3A_23 = arith.constant 0 : index
      %swap3A_24 = vector.load %arg3[%swap3A_22, %swap3A_23] : memref<2x64xf32, #tpu.memory_space<vmem>>, vector<2x64xf32>
      tpu.vector_store %arg3[%swap3A_22, %swap3A_23], %broadcast_in_dim3A_21 {strides = array<i32>} : memref<2x64xf32, #tpu.memory_space<vmem>>, vector<2x64xf32>,
    } else {
    }
    %reduce_sum3A = arith.constant dense<0.000000e+00> : vector<64xf32>
    %reduce_sum3A_10 = vector.multi_reduction <add>, %reshape3A_7, %reduce_sum3A [0] : vector<2048x64xf32> to vector<64xf32>
    %broadcast_in_dim3A = vector.shape_cast %reduce_sum3A_10 : vector<64xf32> to vector<1x64xf32>
    %mul3A = arith.mulf %reshape3A_7, %reshape3A_7 : vector<2048x64xf32>
    %reduce_sum3A_11 = arith.constant dense<0.000000e+00> : vector<64xf32>
    %reduce_sum3A_12 = vector.multi_reduction <add>, %mul3A, %reduce_sum3A_11 [0] : vector<2048x64xf32> to vector<64xf32>
    %broadcast_in_dim3A_13 = vector.shape_cast %reduce_sum3A_12 : vector<64xf32> to vector<1x64xf32>
    %get3A_14 = arith.constant 0 : index
    %get3A_15 = arith.constant 0 : index
    %get3A_16 = vector.load %arg3[%get3A_14, %get3A_15] : memref<2x64xf32, #tpu.memory_space<vmem>>, vector<2x64xf32>
    %concatenate3A = tpu.concatenate %broadcast_in_dim3A, %broadcast_in_dim3A_13 in 0 : vector<1x64xf32>, vector<1x64xf32> -> vector<2x64xf32>
    %add3A_17 = arith.addf %get3A_16, %concatenate3A : vector<2x64xf32>
    %swap3A = arith.constant 0 : index
    %swap3A_18 = arith.constant 0 : index
    %swap3A_19 = vector.load %arg3[%swap3A, %swap3A_18] : memref<2x64xf32, #tpu.memory_space<vmem>>, vector<2x64xf32>
    tpu.vector_store %arg3[%swap3A, %swap3A_18], %add3A_17 {strides = array<i32>} : memref<2x64xf32, #tpu.memory_space<vmem>>, vector<2x64xf32>,
    return
  }
  func.func @transform_0(%arg0: i32) -> (i32, i32) {
    %c0_i32 = arith.constant 0 : i32
    %c0_i32_0 = arith.constant 0 : i32
    return %arg0, %c0_i32 : i32, i32
  }
  func.func @transform_1(%arg0: i32) -> (i32, i32) {
    %c0_i32 = arith.constant 0 : i32
    %c0_i32_0 = arith.constant 0 : i32
    return %arg0, %c0_i32 : i32, i32
  }
  func.func @transform_2(%arg0: i32) -> (i32, i32) {
    %c0_i32 = arith.constant 0 : i32
    %c0_i32_0 = arith.constant 0 : i32
    %c0_i32_1 = arith.constant 0 : i32
    return %c0_i32, %c0_i32_0 : i32, i32
  }
}

module attributes {stable_mosaic.version = 14 : i64} {
  func.func @_st2_body(%arg0: i32, %arg1: memref<2048x64xf32, #tpu.memory_space<vmem>>, %arg2: memref<128x64xf32, #tpu.memory_space<vmem>>, %arg3: memref<2x64xf32, #tpu.memory_space<vmem>>, %arg4: memref<64x64xf32, #tpu.memory_space<vmem>>, %arg5: memref<8x64xf32, #tpu.memory_space<vmem>>, %arg6: memref<2x64xf32, #tpu.memory_space<vmem>>) attributes {dimension_semantics = [#tpu.dimension_semantics<arbitrary>], iteration_bounds = array<i64: 256>, scalar_prefetch = 0 : i64, scratch_operands = 0 : i64, tpu.core_type = #tpu.core_type<tc>, window_params = [{transform_indices = @transform_0, window_bounds = array<i64: 2048, 64>}, {transform_indices = @transform_1, window_bounds = array<i64: 128, 64>}, {pipeline_mode = #tpu.pipeline_mode<synchronous>, transform_indices = @transform_2, window_bounds = array<i64: 2, 64>}, {pipeline_mode = #tpu.pipeline_mode<synchronous>, transform_indices = @transform_3, window_bounds = array<i64: 64, 64>}, {pipeline_mode = #tpu.pipeline_mode<synchronous>, transform_indices = @transform_4, window_bounds = array<i64: 8, 64>}, {pipeline_mode = #tpu.pipeline_mode<synchronous>, transform_indices = @transform_5, window_bounds = array<i64: 2, 64>}]} {
    %get3A = arith.constant 0 : index
    %get3A_0 = arith.constant 0 : index
    %get3A_1 = vector.load %arg5[%get3A, %get3A_0] : memref<8x64xf32, #tpu.memory_space<vmem>>, vector<1x64xf32>
    %get3A_2 = vector.shape_cast %get3A_1 : vector<1x64xf32> to vector<64xf32>
    %get3A_3 = arith.constant 1 : index
    %get3A_4 = arith.constant 0 : index
    %get3A_5 = vector.load %arg5[%get3A_3, %get3A_4] : memref<8x64xf32, #tpu.memory_space<vmem>>, vector<1x64xf32>
    %get3A_6 = vector.shape_cast %get3A_5 : vector<1x64xf32> to vector<64xf32>
    %get3A_7 = arith.constant 0 : index
    %get3A_8 = arith.constant 0 : index
    %get3A_9 = vector.load %arg3[%get3A_7, %get3A_8] : memref<2x64xf32, #tpu.memory_space<vmem>>, vector<1x64xf32>
    %get3A_10 = vector.shape_cast %get3A_9 : vector<1x64xf32> to vector<64xf32>
    %get3A_11 = arith.constant 1 : index
    %get3A_12 = arith.constant 0 : index
    %get3A_13 = vector.load %arg3[%get3A_11, %get3A_12] : memref<2x64xf32, #tpu.memory_space<vmem>>, vector<1x64xf32>
    %get3A_14 = vector.shape_cast %get3A_13 : vector<1x64xf32> to vector<64xf32>
    %div3A = arith.constant 5.242880e+05 : f32
    %div3A_15 = vector.broadcast %div3A : f32 to vector<64xf32>
    %div3A_16 = arith.divf %get3A_10, %div3A_15 : vector<64xf32>
    %div3A_17 = arith.constant 5.242880e+05 : f32
    %div3A_18 = vector.broadcast %div3A_17 : f32 to vector<64xf32>
    %div3A_19 = arith.divf %get3A_14, %div3A_18 : vector<64xf32>
    %mul3A = arith.mulf %div3A_16, %div3A_16 : vector<64xf32>
    %sub3A = arith.subf %div3A_19, %mul3A : vector<64xf32>
    %add3A = arith.constant 9.99999974E-6 : f32
    %add3A_20 = vector.broadcast %add3A : f32 to vector<64xf32>
    %add3A_21 = arith.addf %sub3A, %add3A_20 : vector<64xf32>
    %rsqrt3A = math.rsqrt %add3A_21 : vector<64xf32>
    %mul3A_22 = arith.mulf %get3A_2, %rsqrt3A : vector<64xf32>
    %reshape3A = vector.shape_cast %mul3A_22 : vector<64xf32> to vector<1x64xf32>
    %mul3A_23 = arith.mulf %div3A_16, %mul3A_22 : vector<64xf32>
    %sub3A_24 = arith.subf %get3A_6, %mul3A_23 : vector<64xf32>
    %reshape3A_25 = vector.shape_cast %sub3A_24 : vector<64xf32> to vector<1x64xf32>
    %get3A_26 = arith.constant 0 : index
    %get3A_27 = arith.constant 0 : index
    %get3A_28 = vector.load %arg1[%get3A_26, %get3A_27] : memref<2048x64xf32, #tpu.memory_space<vmem>>, vector<2048x64xf32>
    %reshape3A_29 = vector.shape_cast %get3A_28 : vector<2048x64xf32> to vector<128x16x64xf32>
    %get3A_30 = arith.constant 0 : index
    %get3A_31 = arith.constant 0 : index
    %get3A_32 = vector.load %arg2[%get3A_30, %get3A_31] : memref<128x64xf32, #tpu.memory_space<vmem>>, vector<128x64xf32>
    %reshape3A_33 = vector.shape_cast %get3A_32 : vector<128x64xf32> to vector<128x1x64xf32>
    %add3A_34 = vector.broadcast %reshape3A_33 : vector<128x1x64xf32> to vector<128x16x64xf32>
    %add3A_35 = arith.addf %reshape3A_29, %add3A_34 : vector<128x16x64xf32>
    %reshape3A_36 = vector.shape_cast %add3A_35 : vector<128x16x64xf32> to vector<2048x64xf32>
    %mul3A_37 = vector.broadcast %reshape3A : vector<1x64xf32> to vector<2048x64xf32>
    %mul3A_38 = arith.mulf %reshape3A_36, %mul3A_37 : vector<2048x64xf32>
    %add3A_39 = vector.broadcast %reshape3A_25 : vector<1x64xf32> to vector<2048x64xf32>
    %add3A_40 = arith.addf %mul3A_38, %add3A_39 : vector<2048x64xf32>
    %max3A = arith.constant 0.000000e+00 : f32
    %max3A_41 = vector.broadcast %max3A : f32 to vector<2048x64xf32>
    %max3A_42 = arith.maximumf %add3A_40, %max3A_41 : vector<2048x64xf32>
    %get3A_43 = arith.constant 0 : index
    %get3A_44 = arith.constant 0 : index
    %get3A_45 = vector.load %arg4[%get3A_43, %get3A_44] : memref<64x64xf32, #tpu.memory_space<vmem>>, vector<64x64xf32>
    %dot_general3A = arith.constant dense<0.000000e+00> : vector<2048x64xf32>
    %dot_general3A_46 = tpu.matmul %max3A_42, %get3A_45, %dot_general3A {dimension_numbers = #tpu.dot_dimension_numbers<[1], [1], [0], [0], [0, 0, 1, 0], [], []>, precision = #tpu.contract_precision<fp32>, transpose_lhs_hint = false} : vector<2048x64xf32>, vector<64x64xf32>, vector<2048x64xf32> -> vector<2048x64xf32>
    %eq3A = arith.constant 0 : i32
    %eq3A_47 = arith.cmpi eq, %arg0, %eq3A : i32
    %convert_element_type3A = arith.extui %eq3A_47 : i1 to i32
    %cond3A = arith.constant 0 : i32
    %cond3A_48 = arith.cmpi ne, %convert_element_type3A, %cond3A : i32
    scf.if %cond3A_48 {
      %broadcast_in_dim3A_60 = arith.constant 0.000000e+00 : f32
      %broadcast_in_dim3A_61 = vector.broadcast %broadcast_in_dim3A_60 : f32 to vector<2x64xf32>
      %swap3A_62 = arith.constant 0 : index
      %swap3A_63 = arith.constant 0 : index
      %swap3A_64 = vector.load %arg6[%swap3A_62, %swap3A_63] : memref<2x64xf32, #tpu.memory_space<vmem>>, vector<2x64xf32>
      tpu.vector_store %arg6[%swap3A_62, %swap3A_63], %broadcast_in_dim3A_61 {strides = array<i32>} : memref<2x64xf32, #tpu.memory_space<vmem>>, vector<2x64xf32>,
    } else {
    }
    %reduce_sum3A = arith.constant dense<0.000000e+00> : vector<64xf32>
    %reduce_sum3A_49 = vector.multi_reduction <add>, %dot_general3A_46, %reduce_sum3A [0] : vector<2048x64xf32> to vector<64xf32>
    %broadcast_in_dim3A = vector.shape_cast %reduce_sum3A_49 : vector<64xf32> to vector<1x64xf32>
    %mul3A_50 = arith.mulf %dot_general3A_46, %dot_general3A_46 : vector<2048x64xf32>
    %reduce_sum3A_51 = arith.constant dense<0.000000e+00> : vector<64xf32>
    %reduce_sum3A_52 = vector.multi_reduction <add>, %mul3A_50, %reduce_sum3A_51 [0] : vector<2048x64xf32> to vector<64xf32>
    %broadcast_in_dim3A_53 = vector.shape_cast %reduce_sum3A_52 : vector<64xf32> to vector<1x64xf32>
    %get3A_54 = arith.constant 0 : index
    %get3A_55 = arith.constant 0 : index
    %get3A_56 = vector.load %arg6[%get3A_54, %get3A_55] : memref<2x64xf32, #tpu.memory_space<vmem>>, vector<2x64xf32>
    %concatenate3A = tpu.concatenate %broadcast_in_dim3A, %broadcast_in_dim3A_53 in 0 : vector<1x64xf32>, vector<1x64xf32> -> vector<2x64xf32>
    %add3A_57 = arith.addf %get3A_56, %concatenate3A : vector<2x64xf32>
    %swap3A = arith.constant 0 : index
    %swap3A_58 = arith.constant 0 : index
    %swap3A_59 = vector.load %arg6[%swap3A, %swap3A_58] : memref<2x64xf32, #tpu.memory_space<vmem>>, vector<2x64xf32>
    tpu.vector_store %arg6[%swap3A, %swap3A_58], %add3A_57 {strides = array<i32>} : memref<2x64xf32, #tpu.memory_space<vmem>>, vector<2x64xf32>,
    return
  }
  func.func @transform_0(%arg0: i32) -> (i32, i32) {
    %c0_i32 = arith.constant 0 : i32
    %c0_i32_0 = arith.constant 0 : i32
    return %arg0, %c0_i32 : i32, i32
  }
  func.func @transform_1(%arg0: i32) -> (i32, i32) {
    %c0_i32 = arith.constant 0 : i32
    %c0_i32_0 = arith.constant 0 : i32
    return %arg0, %c0_i32 : i32, i32
  }
  func.func @transform_2(%arg0: i32) -> (i32, i32) {
    %c0_i32 = arith.constant 0 : i32
    %c0_i32_0 = arith.constant 0 : i32
    %c0_i32_1 = arith.constant 0 : i32
    return %c0_i32, %c0_i32_0 : i32, i32
  }
  func.func @transform_3(%arg0: i32) -> (i32, i32) {
    %c0_i32 = arith.constant 0 : i32
    %c0_i32_0 = arith.constant 0 : i32
    %c0_i32_1 = arith.constant 0 : i32
    return %c0_i32, %c0_i32_0 : i32, i32
  }
  func.func @transform_4(%arg0: i32) -> (i32, i32) {
    %c0_i32 = arith.constant 0 : i32
    %c0_i32_0 = arith.constant 0 : i32
    %c0_i32_1 = arith.constant 0 : i32
    return %c0_i32, %c0_i32_0 : i32, i32
  }
  func.func @transform_5(%arg0: i32) -> (i32, i32) {
    %c0_i32 = arith.constant 0 : i32
    %c0_i32_0 = arith.constant 0 : i32
    %c0_i32_1 = arith.constant 0 : i32
    return %c0_i32, %c0_i32_0 : i32, i32
  }
}

module attributes {stable_mosaic.version = 14 : i64} {
  func.func @_st3_body(%arg0: i32, %arg1: memref<2048x64xf32, #tpu.memory_space<vmem>>, %arg2: memref<128x64xf32, #tpu.memory_space<vmem>>, %arg3: memref<2x64xf32, #tpu.memory_space<vmem>>, %arg4: memref<2x64xf32, #tpu.memory_space<vmem>>, %arg5: memref<64x64xf32, #tpu.memory_space<vmem>>, %arg6: memref<64x64xf32, #tpu.memory_space<vmem>>, %arg7: memref<8x64xf32, #tpu.memory_space<vmem>>, %arg8: memref<2x64xf32, #tpu.memory_space<vmem>>) attributes {dimension_semantics = [#tpu.dimension_semantics<arbitrary>], iteration_bounds = array<i64: 256>, scalar_prefetch = 0 : i64, scratch_operands = 0 : i64, tpu.core_type = #tpu.core_type<tc>, window_params = [{transform_indices = @transform_0, window_bounds = array<i64: 2048, 64>}, {transform_indices = @transform_1, window_bounds = array<i64: 128, 64>}, {pipeline_mode = #tpu.pipeline_mode<synchronous>, transform_indices = @transform_2, window_bounds = array<i64: 2, 64>}, {pipeline_mode = #tpu.pipeline_mode<synchronous>, transform_indices = @transform_3, window_bounds = array<i64: 2, 64>}, {pipeline_mode = #tpu.pipeline_mode<synchronous>, transform_indices = @transform_4, window_bounds = array<i64: 64, 64>}, {pipeline_mode = #tpu.pipeline_mode<synchronous>, transform_indices = @transform_5, window_bounds = array<i64: 64, 64>}, {pipeline_mode = #tpu.pipeline_mode<synchronous>, transform_indices = @transform_6, window_bounds = array<i64: 8, 64>}, {pipeline_mode = #tpu.pipeline_mode<synchronous>, transform_indices = @transform_7, window_bounds = array<i64: 2, 64>}]} {
    %get3A = arith.constant 0 : index
    %get3A_0 = arith.constant 0 : index
    %get3A_1 = vector.load %arg7[%get3A, %get3A_0] : memref<8x64xf32, #tpu.memory_space<vmem>>, vector<1x64xf32>
    %get3A_2 = vector.shape_cast %get3A_1 : vector<1x64xf32> to vector<64xf32>
    %get3A_3 = arith.constant 1 : index
    %get3A_4 = arith.constant 0 : index
    %get3A_5 = vector.load %arg7[%get3A_3, %get3A_4] : memref<8x64xf32, #tpu.memory_space<vmem>>, vector<1x64xf32>
    %get3A_6 = vector.shape_cast %get3A_5 : vector<1x64xf32> to vector<64xf32>
    %get3A_7 = arith.constant 0 : index
    %get3A_8 = arith.constant 0 : index
    %get3A_9 = vector.load %arg3[%get3A_7, %get3A_8] : memref<2x64xf32, #tpu.memory_space<vmem>>, vector<1x64xf32>
    %get3A_10 = vector.shape_cast %get3A_9 : vector<1x64xf32> to vector<64xf32>
    %get3A_11 = arith.constant 1 : index
    %get3A_12 = arith.constant 0 : index
    %get3A_13 = vector.load %arg3[%get3A_11, %get3A_12] : memref<2x64xf32, #tpu.memory_space<vmem>>, vector<1x64xf32>
    %get3A_14 = vector.shape_cast %get3A_13 : vector<1x64xf32> to vector<64xf32>
    %div3A = arith.constant 5.242880e+05 : f32
    %div3A_15 = vector.broadcast %div3A : f32 to vector<64xf32>
    %div3A_16 = arith.divf %get3A_10, %div3A_15 : vector<64xf32>
    %div3A_17 = arith.constant 5.242880e+05 : f32
    %div3A_18 = vector.broadcast %div3A_17 : f32 to vector<64xf32>
    %div3A_19 = arith.divf %get3A_14, %div3A_18 : vector<64xf32>
    %mul3A = arith.mulf %div3A_16, %div3A_16 : vector<64xf32>
    %sub3A = arith.subf %div3A_19, %mul3A : vector<64xf32>
    %add3A = arith.constant 9.99999974E-6 : f32
    %add3A_20 = vector.broadcast %add3A : f32 to vector<64xf32>
    %add3A_21 = arith.addf %sub3A, %add3A_20 : vector<64xf32>
    %rsqrt3A = math.rsqrt %add3A_21 : vector<64xf32>
    %mul3A_22 = arith.mulf %get3A_2, %rsqrt3A : vector<64xf32>
    %reshape3A = vector.shape_cast %mul3A_22 : vector<64xf32> to vector<1x64xf32>
    %mul3A_23 = arith.mulf %div3A_16, %mul3A_22 : vector<64xf32>
    %sub3A_24 = arith.subf %get3A_6, %mul3A_23 : vector<64xf32>
    %reshape3A_25 = vector.shape_cast %sub3A_24 : vector<64xf32> to vector<1x64xf32>
    %get3A_26 = arith.constant 2 : index
    %get3A_27 = arith.constant 0 : index
    %get3A_28 = vector.load %arg7[%get3A_26, %get3A_27] : memref<8x64xf32, #tpu.memory_space<vmem>>, vector<1x64xf32>
    %get3A_29 = vector.shape_cast %get3A_28 : vector<1x64xf32> to vector<64xf32>
    %get3A_30 = arith.constant 3 : index
    %get3A_31 = arith.constant 0 : index
    %get3A_32 = vector.load %arg7[%get3A_30, %get3A_31] : memref<8x64xf32, #tpu.memory_space<vmem>>, vector<1x64xf32>
    %get3A_33 = vector.shape_cast %get3A_32 : vector<1x64xf32> to vector<64xf32>
    %get3A_34 = arith.constant 0 : index
    %get3A_35 = arith.constant 0 : index
    %get3A_36 = vector.load %arg4[%get3A_34, %get3A_35] : memref<2x64xf32, #tpu.memory_space<vmem>>, vector<1x64xf32>
    %get3A_37 = vector.shape_cast %get3A_36 : vector<1x64xf32> to vector<64xf32>
    %get3A_38 = arith.constant 1 : index
    %get3A_39 = arith.constant 0 : index
    %get3A_40 = vector.load %arg4[%get3A_38, %get3A_39] : memref<2x64xf32, #tpu.memory_space<vmem>>, vector<1x64xf32>
    %get3A_41 = vector.shape_cast %get3A_40 : vector<1x64xf32> to vector<64xf32>
    %div3A_42 = arith.constant 5.242880e+05 : f32
    %div3A_43 = vector.broadcast %div3A_42 : f32 to vector<64xf32>
    %div3A_44 = arith.divf %get3A_37, %div3A_43 : vector<64xf32>
    %div3A_45 = arith.constant 5.242880e+05 : f32
    %div3A_46 = vector.broadcast %div3A_45 : f32 to vector<64xf32>
    %div3A_47 = arith.divf %get3A_41, %div3A_46 : vector<64xf32>
    %mul3A_48 = arith.mulf %div3A_44, %div3A_44 : vector<64xf32>
    %sub3A_49 = arith.subf %div3A_47, %mul3A_48 : vector<64xf32>
    %add3A_50 = arith.constant 9.99999974E-6 : f32
    %add3A_51 = vector.broadcast %add3A_50 : f32 to vector<64xf32>
    %add3A_52 = arith.addf %sub3A_49, %add3A_51 : vector<64xf32>
    %rsqrt3A_53 = math.rsqrt %add3A_52 : vector<64xf32>
    %mul3A_54 = arith.mulf %get3A_29, %rsqrt3A_53 : vector<64xf32>
    %reshape3A_55 = vector.shape_cast %mul3A_54 : vector<64xf32> to vector<1x64xf32>
    %mul3A_56 = arith.mulf %div3A_44, %mul3A_54 : vector<64xf32>
    %sub3A_57 = arith.subf %get3A_33, %mul3A_56 : vector<64xf32>
    %reshape3A_58 = vector.shape_cast %sub3A_57 : vector<64xf32> to vector<1x64xf32>
    %get3A_59 = arith.constant 0 : index
    %get3A_60 = arith.constant 0 : index
    %get3A_61 = vector.load %arg1[%get3A_59, %get3A_60] : memref<2048x64xf32, #tpu.memory_space<vmem>>, vector<2048x64xf32>
    %reshape3A_62 = vector.shape_cast %get3A_61 : vector<2048x64xf32> to vector<128x16x64xf32>
    %get3A_63 = arith.constant 0 : index
    %get3A_64 = arith.constant 0 : index
    %get3A_65 = vector.load %arg2[%get3A_63, %get3A_64] : memref<128x64xf32, #tpu.memory_space<vmem>>, vector<128x64xf32>
    %reshape3A_66 = vector.shape_cast %get3A_65 : vector<128x64xf32> to vector<128x1x64xf32>
    %add3A_67 = vector.broadcast %reshape3A_66 : vector<128x1x64xf32> to vector<128x16x64xf32>
    %add3A_68 = arith.addf %reshape3A_62, %add3A_67 : vector<128x16x64xf32>
    %reshape3A_69 = vector.shape_cast %add3A_68 : vector<128x16x64xf32> to vector<2048x64xf32>
    %mul3A_70 = vector.broadcast %reshape3A : vector<1x64xf32> to vector<2048x64xf32>
    %mul3A_71 = arith.mulf %reshape3A_69, %mul3A_70 : vector<2048x64xf32>
    %add3A_72 = vector.broadcast %reshape3A_25 : vector<1x64xf32> to vector<2048x64xf32>
    %add3A_73 = arith.addf %mul3A_71, %add3A_72 : vector<2048x64xf32>
    %max3A = arith.constant 0.000000e+00 : f32
    %max3A_74 = vector.broadcast %max3A : f32 to vector<2048x64xf32>
    %max3A_75 = arith.maximumf %add3A_73, %max3A_74 : vector<2048x64xf32>
    %get3A_76 = arith.constant 0 : index
    %get3A_77 = arith.constant 0 : index
    %get3A_78 = vector.load %arg5[%get3A_76, %get3A_77] : memref<64x64xf32, #tpu.memory_space<vmem>>, vector<64x64xf32>
    %dot_general3A = arith.constant dense<0.000000e+00> : vector<2048x64xf32>
    %dot_general3A_79 = tpu.matmul %max3A_75, %get3A_78, %dot_general3A {dimension_numbers = #tpu.dot_dimension_numbers<[1], [1], [0], [0], [0, 0, 1, 0], [], []>, precision = #tpu.contract_precision<fp32>, transpose_lhs_hint = false} : vector<2048x64xf32>, vector<64x64xf32>, vector<2048x64xf32> -> vector<2048x64xf32>
    %mul3A_80 = vector.broadcast %reshape3A_55 : vector<1x64xf32> to vector<2048x64xf32>
    %mul3A_81 = arith.mulf %dot_general3A_79, %mul3A_80 : vector<2048x64xf32>
    %add3A_82 = vector.broadcast %reshape3A_58 : vector<1x64xf32> to vector<2048x64xf32>
    %add3A_83 = arith.addf %mul3A_81, %add3A_82 : vector<2048x64xf32>
    %max3A_84 = arith.constant 0.000000e+00 : f32
    %max3A_85 = vector.broadcast %max3A_84 : f32 to vector<2048x64xf32>
    %max3A_86 = arith.maximumf %add3A_83, %max3A_85 : vector<2048x64xf32>
    %get3A_87 = arith.constant 0 : index
    %get3A_88 = arith.constant 0 : index
    %get3A_89 = vector.load %arg6[%get3A_87, %get3A_88] : memref<64x64xf32, #tpu.memory_space<vmem>>, vector<64x64xf32>
    %dot_general3A_90 = arith.constant dense<0.000000e+00> : vector<2048x64xf32>
    %dot_general3A_91 = tpu.matmul %max3A_86, %get3A_89, %dot_general3A_90 {dimension_numbers = #tpu.dot_dimension_numbers<[1], [1], [0], [0], [0, 0, 1, 0], [], []>, precision = #tpu.contract_precision<fp32>, transpose_lhs_hint = false} : vector<2048x64xf32>, vector<64x64xf32>, vector<2048x64xf32> -> vector<2048x64xf32>
    %eq3A = arith.constant 0 : i32
    %eq3A_92 = arith.cmpi eq, %arg0, %eq3A : i32
    %convert_element_type3A = arith.extui %eq3A_92 : i1 to i32
    %cond3A = arith.constant 0 : i32
    %cond3A_93 = arith.cmpi ne, %convert_element_type3A, %cond3A : i32
    scf.if %cond3A_93 {
      %broadcast_in_dim3A_105 = arith.constant 0.000000e+00 : f32
      %broadcast_in_dim3A_106 = vector.broadcast %broadcast_in_dim3A_105 : f32 to vector<2x64xf32>
      %swap3A_107 = arith.constant 0 : index
      %swap3A_108 = arith.constant 0 : index
      %swap3A_109 = vector.load %arg8[%swap3A_107, %swap3A_108] : memref<2x64xf32, #tpu.memory_space<vmem>>, vector<2x64xf32>
      tpu.vector_store %arg8[%swap3A_107, %swap3A_108], %broadcast_in_dim3A_106 {strides = array<i32>} : memref<2x64xf32, #tpu.memory_space<vmem>>, vector<2x64xf32>,
    } else {
    }
    %reduce_sum3A = arith.constant dense<0.000000e+00> : vector<64xf32>
    %reduce_sum3A_94 = vector.multi_reduction <add>, %dot_general3A_91, %reduce_sum3A [0] : vector<2048x64xf32> to vector<64xf32>
    %broadcast_in_dim3A = vector.shape_cast %reduce_sum3A_94 : vector<64xf32> to vector<1x64xf32>
    %mul3A_95 = arith.mulf %dot_general3A_91, %dot_general3A_91 : vector<2048x64xf32>
    %reduce_sum3A_96 = arith.constant dense<0.000000e+00> : vector<64xf32>
    %reduce_sum3A_97 = vector.multi_reduction <add>, %mul3A_95, %reduce_sum3A_96 [0] : vector<2048x64xf32> to vector<64xf32>
    %broadcast_in_dim3A_98 = vector.shape_cast %reduce_sum3A_97 : vector<64xf32> to vector<1x64xf32>
    %get3A_99 = arith.constant 0 : index
    %get3A_100 = arith.constant 0 : index
    %get3A_101 = vector.load %arg8[%get3A_99, %get3A_100] : memref<2x64xf32, #tpu.memory_space<vmem>>, vector<2x64xf32>
    %concatenate3A = tpu.concatenate %broadcast_in_dim3A, %broadcast_in_dim3A_98 in 0 : vector<1x64xf32>, vector<1x64xf32> -> vector<2x64xf32>
    %add3A_102 = arith.addf %get3A_101, %concatenate3A : vector<2x64xf32>
    %swap3A = arith.constant 0 : index
    %swap3A_103 = arith.constant 0 : index
    %swap3A_104 = vector.load %arg8[%swap3A, %swap3A_103] : memref<2x64xf32, #tpu.memory_space<vmem>>, vector<2x64xf32>
    tpu.vector_store %arg8[%swap3A, %swap3A_103], %add3A_102 {strides = array<i32>} : memref<2x64xf32, #tpu.memory_space<vmem>>, vector<2x64xf32>,
    return
  }
  func.func @transform_0(%arg0: i32) -> (i32, i32) {
    %c0_i32 = arith.constant 0 : i32
    %c0_i32_0 = arith.constant 0 : i32
    return %arg0, %c0_i32 : i32, i32
  }
  func.func @transform_1(%arg0: i32) -> (i32, i32) {
    %c0_i32 = arith.constant 0 : i32
    %c0_i32_0 = arith.constant 0 : i32
    return %arg0, %c0_i32 : i32, i32
  }
  func.func @transform_2(%arg0: i32) -> (i32, i32) {
    %c0_i32 = arith.constant 0 : i32
    %c0_i32_0 = arith.constant 0 : i32
    %c0_i32_1 = arith.constant 0 : i32
    return %c0_i32, %c0_i32_0 : i32, i32
  }
  func.func @transform_3(%arg0: i32) -> (i32, i32) {
    %c0_i32 = arith.constant 0 : i32
    %c0_i32_0 = arith.constant 0 : i32
    %c0_i32_1 = arith.constant 0 : i32
    return %c0_i32, %c0_i32_0 : i32, i32
  }
  func.func @transform_4(%arg0: i32) -> (i32, i32) {
    %c0_i32 = arith.constant 0 : i32
    %c0_i32_0 = arith.constant 0 : i32
    %c0_i32_1 = arith.constant 0 : i32
    return %c0_i32, %c0_i32_0 : i32, i32
  }
  func.func @transform_5(%arg0: i32) -> (i32, i32) {
    %c0_i32 = arith.constant 0 : i32
    %c0_i32_0 = arith.constant 0 : i32
    %c0_i32_1 = arith.constant 0 : i32
    return %c0_i32, %c0_i32_0 : i32, i32
  }
  func.func @transform_6(%arg0: i32) -> (i32, i32) {
    %c0_i32 = arith.constant 0 : i32
    %c0_i32_0 = arith.constant 0 : i32
    %c0_i32_1 = arith.constant 0 : i32
    return %c0_i32, %c0_i32_0 : i32, i32
  }
  func.func @transform_7(%arg0: i32) -> (i32, i32) {
    %c0_i32 = arith.constant 0 : i32
    %c0_i32_0 = arith.constant 0 : i32
    %c0_i32_1 = arith.constant 0 : i32
    return %c0_i32, %c0_i32_0 : i32, i32
  }
}

module attributes {stable_mosaic.version = 14 : i64} {
  func.func @_fin_body(%arg0: i32, %arg1: memref<2048x64xf32, #tpu.memory_space<vmem>>, %arg2: memref<128x64xf32, #tpu.memory_space<vmem>>, %arg3: memref<128x64xf32, #tpu.memory_space<vmem>>, %arg4: memref<2x64xf32, #tpu.memory_space<vmem>>, %arg5: memref<2x64xf32, #tpu.memory_space<vmem>>, %arg6: memref<2x64xf32, #tpu.memory_space<vmem>>, %arg7: memref<2x64xf32, #tpu.memory_space<vmem>>, %arg8: memref<64x64xf32, #tpu.memory_space<vmem>>, %arg9: memref<64x64xf32, #tpu.memory_space<vmem>>, %arg10: memref<8x64xf32, #tpu.memory_space<vmem>>, %arg11: memref<1x64x128xf32, #tpu.memory_space<vmem>>) attributes {dimension_semantics = [#tpu.dimension_semantics<arbitrary>], iteration_bounds = array<i64: 256>, scalar_prefetch = 0 : i64, scratch_operands = 0 : i64, tpu.core_type = #tpu.core_type<tc>, window_params = [{transform_indices = @transform_0, window_bounds = array<i64: 2048, 64>}, {transform_indices = @transform_1, window_bounds = array<i64: 128, 64>}, {transform_indices = @transform_2, window_bounds = array<i64: 128, 64>}, {pipeline_mode = #tpu.pipeline_mode<synchronous>, transform_indices = @transform_3, window_bounds = array<i64: 2, 64>}, {pipeline_mode = #tpu.pipeline_mode<synchronous>, transform_indices = @transform_4, window_bounds = array<i64: 2, 64>}, {pipeline_mode = #tpu.pipeline_mode<synchronous>, transform_indices = @transform_5, window_bounds = array<i64: 2, 64>}, {pipeline_mode = #tpu.pipeline_mode<synchronous>, transform_indices = @transform_6, window_bounds = array<i64: 2, 64>}, {pipeline_mode = #tpu.pipeline_mode<synchronous>, transform_indices = @transform_7, window_bounds = array<i64: 64, 64>}, {pipeline_mode = #tpu.pipeline_mode<synchronous>, transform_indices = @transform_8, window_bounds = array<i64: 64, 64>}, {pipeline_mode = #tpu.pipeline_mode<synchronous>, transform_indices = @transform_9, window_bounds = array<i64: 8, 64>}, {transform_indices = @transform_10, window_bounds = array<i64: 1, 64, 128>}]} {
    %get3A = arith.constant 0 : index
    %get3A_0 = arith.constant 0 : index
    %get3A_1 = vector.load %arg10[%get3A, %get3A_0] : memref<8x64xf32, #tpu.memory_space<vmem>>, vector<1x64xf32>
    %get3A_2 = vector.shape_cast %get3A_1 : vector<1x64xf32> to vector<64xf32>
    %get3A_3 = arith.constant 1 : index
    %get3A_4 = arith.constant 0 : index
    %get3A_5 = vector.load %arg10[%get3A_3, %get3A_4] : memref<8x64xf32, #tpu.memory_space<vmem>>, vector<1x64xf32>
    %get3A_6 = vector.shape_cast %get3A_5 : vector<1x64xf32> to vector<64xf32>
    %get3A_7 = arith.constant 0 : index
    %get3A_8 = arith.constant 0 : index
    %get3A_9 = vector.load %arg4[%get3A_7, %get3A_8] : memref<2x64xf32, #tpu.memory_space<vmem>>, vector<1x64xf32>
    %get3A_10 = vector.shape_cast %get3A_9 : vector<1x64xf32> to vector<64xf32>
    %get3A_11 = arith.constant 1 : index
    %get3A_12 = arith.constant 0 : index
    %get3A_13 = vector.load %arg4[%get3A_11, %get3A_12] : memref<2x64xf32, #tpu.memory_space<vmem>>, vector<1x64xf32>
    %get3A_14 = vector.shape_cast %get3A_13 : vector<1x64xf32> to vector<64xf32>
    %div3A = arith.constant 5.242880e+05 : f32
    %div3A_15 = vector.broadcast %div3A : f32 to vector<64xf32>
    %div3A_16 = arith.divf %get3A_10, %div3A_15 : vector<64xf32>
    %div3A_17 = arith.constant 5.242880e+05 : f32
    %div3A_18 = vector.broadcast %div3A_17 : f32 to vector<64xf32>
    %div3A_19 = arith.divf %get3A_14, %div3A_18 : vector<64xf32>
    %mul3A = arith.mulf %div3A_16, %div3A_16 : vector<64xf32>
    %sub3A = arith.subf %div3A_19, %mul3A : vector<64xf32>
    %add3A = arith.constant 9.99999974E-6 : f32
    %add3A_20 = vector.broadcast %add3A : f32 to vector<64xf32>
    %add3A_21 = arith.addf %sub3A, %add3A_20 : vector<64xf32>
    %rsqrt3A = math.rsqrt %add3A_21 : vector<64xf32>
    %mul3A_22 = arith.mulf %get3A_2, %rsqrt3A : vector<64xf32>
    %reshape3A = vector.shape_cast %mul3A_22 : vector<64xf32> to vector<1x64xf32>
    %mul3A_23 = arith.mulf %div3A_16, %mul3A_22 : vector<64xf32>
    %sub3A_24 = arith.subf %get3A_6, %mul3A_23 : vector<64xf32>
    %reshape3A_25 = vector.shape_cast %sub3A_24 : vector<64xf32> to vector<1x64xf32>
    %get3A_26 = arith.constant 2 : index
    %get3A_27 = arith.constant 0 : index
    %get3A_28 = vector.load %arg10[%get3A_26, %get3A_27] : memref<8x64xf32, #tpu.memory_space<vmem>>, vector<1x64xf32>
    %get3A_29 = vector.shape_cast %get3A_28 : vector<1x64xf32> to vector<64xf32>
    %get3A_30 = arith.constant 3 : index
    %get3A_31 = arith.constant 0 : index
    %get3A_32 = vector.load %arg10[%get3A_30, %get3A_31] : memref<8x64xf32, #tpu.memory_space<vmem>>, vector<1x64xf32>
    %get3A_33 = vector.shape_cast %get3A_32 : vector<1x64xf32> to vector<64xf32>
    %get3A_34 = arith.constant 0 : index
    %get3A_35 = arith.constant 0 : index
    %get3A_36 = vector.load %arg5[%get3A_34, %get3A_35] : memref<2x64xf32, #tpu.memory_space<vmem>>, vector<1x64xf32>
    %get3A_37 = vector.shape_cast %get3A_36 : vector<1x64xf32> to vector<64xf32>
    %get3A_38 = arith.constant 1 : index
    %get3A_39 = arith.constant 0 : index
    %get3A_40 = vector.load %arg5[%get3A_38, %get3A_39] : memref<2x64xf32, #tpu.memory_space<vmem>>, vector<1x64xf32>
    %get3A_41 = vector.shape_cast %get3A_40 : vector<1x64xf32> to vector<64xf32>
    %div3A_42 = arith.constant 5.242880e+05 : f32
    %div3A_43 = vector.broadcast %div3A_42 : f32 to vector<64xf32>
    %div3A_44 = arith.divf %get3A_37, %div3A_43 : vector<64xf32>
    %div3A_45 = arith.constant 5.242880e+05 : f32
    %div3A_46 = vector.broadcast %div3A_45 : f32 to vector<64xf32>
    %div3A_47 = arith.divf %get3A_41, %div3A_46 : vector<64xf32>
    %mul3A_48 = arith.mulf %div3A_44, %div3A_44 : vector<64xf32>
    %sub3A_49 = arith.subf %div3A_47, %mul3A_48 : vector<64xf32>
    %add3A_50 = arith.constant 9.99999974E-6 : f32
    %add3A_51 = vector.broadcast %add3A_50 : f32 to vector<64xf32>
    %add3A_52 = arith.addf %sub3A_49, %add3A_51 : vector<64xf32>
    %rsqrt3A_53 = math.rsqrt %add3A_52 : vector<64xf32>
    %mul3A_54 = arith.mulf %get3A_29, %rsqrt3A_53 : vector<64xf32>
    %reshape3A_55 = vector.shape_cast %mul3A_54 : vector<64xf32> to vector<1x64xf32>
    %mul3A_56 = arith.mulf %div3A_44, %mul3A_54 : vector<64xf32>
    %sub3A_57 = arith.subf %get3A_33, %mul3A_56 : vector<64xf32>
    %reshape3A_58 = vector.shape_cast %sub3A_57 : vector<64xf32> to vector<1x64xf32>
    %get3A_59 = arith.constant 4 : index
    %get3A_60 = arith.constant 0 : index
    %get3A_61 = vector.load %arg10[%get3A_59, %get3A_60] : memref<8x64xf32, #tpu.memory_space<vmem>>, vector<1x64xf32>
    %get3A_62 = vector.shape_cast %get3A_61 : vector<1x64xf32> to vector<64xf32>
    %get3A_63 = arith.constant 5 : index
    %get3A_64 = arith.constant 0 : index
    %get3A_65 = vector.load %arg10[%get3A_63, %get3A_64] : memref<8x64xf32, #tpu.memory_space<vmem>>, vector<1x64xf32>
    %get3A_66 = vector.shape_cast %get3A_65 : vector<1x64xf32> to vector<64xf32>
    %get3A_67 = arith.constant 0 : index
    %get3A_68 = arith.constant 0 : index
    %get3A_69 = vector.load %arg6[%get3A_67, %get3A_68] : memref<2x64xf32, #tpu.memory_space<vmem>>, vector<1x64xf32>
    %get3A_70 = vector.shape_cast %get3A_69 : vector<1x64xf32> to vector<64xf32>
    %get3A_71 = arith.constant 1 : index
    %get3A_72 = arith.constant 0 : index
    %get3A_73 = vector.load %arg6[%get3A_71, %get3A_72] : memref<2x64xf32, #tpu.memory_space<vmem>>, vector<1x64xf32>
    %get3A_74 = vector.shape_cast %get3A_73 : vector<1x64xf32> to vector<64xf32>
    %div3A_75 = arith.constant 5.242880e+05 : f32
    %div3A_76 = vector.broadcast %div3A_75 : f32 to vector<64xf32>
    %div3A_77 = arith.divf %get3A_70, %div3A_76 : vector<64xf32>
    %div3A_78 = arith.constant 5.242880e+05 : f32
    %div3A_79 = vector.broadcast %div3A_78 : f32 to vector<64xf32>
    %div3A_80 = arith.divf %get3A_74, %div3A_79 : vector<64xf32>
    %mul3A_81 = arith.mulf %div3A_77, %div3A_77 : vector<64xf32>
    %sub3A_82 = arith.subf %div3A_80, %mul3A_81 : vector<64xf32>
    %add3A_83 = arith.constant 9.99999974E-6 : f32
    %add3A_84 = vector.broadcast %add3A_83 : f32 to vector<64xf32>
    %add3A_85 = arith.addf %sub3A_82, %add3A_84 : vector<64xf32>
    %rsqrt3A_86 = math.rsqrt %add3A_85 : vector<64xf32>
    %mul3A_87 = arith.mulf %get3A_62, %rsqrt3A_86 : vector<64xf32>
    %reshape3A_88 = vector.shape_cast %mul3A_87 : vector<64xf32> to vector<1x64xf32>
    %mul3A_89 = arith.mulf %div3A_77, %mul3A_87 : vector<64xf32>
    %sub3A_90 = arith.subf %get3A_66, %mul3A_89 : vector<64xf32>
    %reshape3A_91 = vector.shape_cast %sub3A_90 : vector<64xf32> to vector<1x64xf32>
    %get3A_92 = arith.constant 6 : index
    %get3A_93 = arith.constant 0 : index
    %get3A_94 = vector.load %arg10[%get3A_92, %get3A_93] : memref<8x64xf32, #tpu.memory_space<vmem>>, vector<1x64xf32>
    %get3A_95 = vector.shape_cast %get3A_94 : vector<1x64xf32> to vector<64xf32>
    %get3A_96 = arith.constant 7 : index
    %get3A_97 = arith.constant 0 : index
    %get3A_98 = vector.load %arg10[%get3A_96, %get3A_97] : memref<8x64xf32, #tpu.memory_space<vmem>>, vector<1x64xf32>
    %get3A_99 = vector.shape_cast %get3A_98 : vector<1x64xf32> to vector<64xf32>
    %get3A_100 = arith.constant 0 : index
    %get3A_101 = arith.constant 0 : index
    %get3A_102 = vector.load %arg7[%get3A_100, %get3A_101] : memref<2x64xf32, #tpu.memory_space<vmem>>, vector<1x64xf32>
    %get3A_103 = vector.shape_cast %get3A_102 : vector<1x64xf32> to vector<64xf32>
    %get3A_104 = arith.constant 1 : index
    %get3A_105 = arith.constant 0 : index
    %get3A_106 = vector.load %arg7[%get3A_104, %get3A_105] : memref<2x64xf32, #tpu.memory_space<vmem>>, vector<1x64xf32>
    %get3A_107 = vector.shape_cast %get3A_106 : vector<1x64xf32> to vector<64xf32>
    %div3A_108 = arith.constant 3.276800e+04 : f32
    %div3A_109 = vector.broadcast %div3A_108 : f32 to vector<64xf32>
    %div3A_110 = arith.divf %get3A_103, %div3A_109 : vector<64xf32>
    %div3A_111 = arith.constant 3.276800e+04 : f32
    %div3A_112 = vector.broadcast %div3A_111 : f32 to vector<64xf32>
    %div3A_113 = arith.divf %get3A_107, %div3A_112 : vector<64xf32>
    %mul3A_114 = arith.mulf %div3A_110, %div3A_110 : vector<64xf32>
    %sub3A_115 = arith.subf %div3A_113, %mul3A_114 : vector<64xf32>
    %add3A_116 = arith.constant 9.99999974E-6 : f32
    %add3A_117 = vector.broadcast %add3A_116 : f32 to vector<64xf32>
    %add3A_118 = arith.addf %sub3A_115, %add3A_117 : vector<64xf32>
    %rsqrt3A_119 = math.rsqrt %add3A_118 : vector<64xf32>
    %mul3A_120 = arith.mulf %get3A_95, %rsqrt3A_119 : vector<64xf32>
    %reshape3A_121 = vector.shape_cast %mul3A_120 : vector<64xf32> to vector<1x64xf32>
    %mul3A_122 = arith.mulf %div3A_110, %mul3A_120 : vector<64xf32>
    %sub3A_123 = arith.subf %get3A_99, %mul3A_122 : vector<64xf32>
    %reshape3A_124 = vector.shape_cast %sub3A_123 : vector<64xf32> to vector<1x64xf32>
    %get3A_125 = arith.constant 0 : index
    %get3A_126 = arith.constant 0 : index
    %get3A_127 = vector.load %arg1[%get3A_125, %get3A_126] : memref<2048x64xf32, #tpu.memory_space<vmem>>, vector<2048x64xf32>
    %reshape3A_128 = vector.shape_cast %get3A_127 : vector<2048x64xf32> to vector<128x16x64xf32>
    %get3A_129 = arith.constant 0 : index
    %get3A_130 = arith.constant 0 : index
    %get3A_131 = vector.load %arg2[%get3A_129, %get3A_130] : memref<128x64xf32, #tpu.memory_space<vmem>>, vector<128x64xf32>
    %reshape3A_132 = vector.shape_cast %get3A_131 : vector<128x64xf32> to vector<128x1x64xf32>
    %add3A_133 = vector.broadcast %reshape3A_132 : vector<128x1x64xf32> to vector<128x16x64xf32>
    %add3A_134 = arith.addf %reshape3A_128, %add3A_133 : vector<128x16x64xf32>
    %reshape3A_135 = vector.shape_cast %add3A_134 : vector<128x16x64xf32> to vector<2048x64xf32>
    %mul3A_136 = vector.broadcast %reshape3A : vector<1x64xf32> to vector<2048x64xf32>
    %mul3A_137 = arith.mulf %reshape3A_135, %mul3A_136 : vector<2048x64xf32>
    %add3A_138 = vector.broadcast %reshape3A_25 : vector<1x64xf32> to vector<2048x64xf32>
    %add3A_139 = arith.addf %mul3A_137, %add3A_138 : vector<2048x64xf32>
    %max3A = arith.constant 0.000000e+00 : f32
    %max3A_140 = vector.broadcast %max3A : f32 to vector<2048x64xf32>
    %max3A_141 = arith.maximumf %add3A_139, %max3A_140 : vector<2048x64xf32>
    %get3A_142 = arith.constant 0 : index
    %get3A_143 = arith.constant 0 : index
    %get3A_144 = vector.load %arg8[%get3A_142, %get3A_143] : memref<64x64xf32, #tpu.memory_space<vmem>>, vector<64x64xf32>
    %dot_general3A = arith.constant dense<0.000000e+00> : vector<2048x64xf32>
    %dot_general3A_145 = tpu.matmul %max3A_141, %get3A_144, %dot_general3A {dimension_numbers = #tpu.dot_dimension_numbers<[1], [1], [0], [0], [0, 0, 1, 0], [], []>, precision = #tpu.contract_precision<fp32>, transpose_lhs_hint = false} : vector<2048x64xf32>, vector<64x64xf32>, vector<2048x64xf32> -> vector<2048x64xf32>
    %mul3A_146 = vector.broadcast %reshape3A_55 : vector<1x64xf32> to vector<2048x64xf32>
    %mul3A_147 = arith.mulf %dot_general3A_145, %mul3A_146 : vector<2048x64xf32>
    %add3A_148 = vector.broadcast %reshape3A_58 : vector<1x64xf32> to vector<2048x64xf32>
    %add3A_149 = arith.addf %mul3A_147, %add3A_148 : vector<2048x64xf32>
    %max3A_150 = arith.constant 0.000000e+00 : f32
    %max3A_151 = vector.broadcast %max3A_150 : f32 to vector<2048x64xf32>
    %max3A_152 = arith.maximumf %add3A_149, %max3A_151 : vector<2048x64xf32>
    %get3A_153 = arith.constant 0 : index
    %get3A_154 = arith.constant 0 : index
    %get3A_155 = vector.load %arg9[%get3A_153, %get3A_154] : memref<64x64xf32, #tpu.memory_space<vmem>>, vector<64x64xf32>
    %dot_general3A_156 = arith.constant dense<0.000000e+00> : vector<2048x64xf32>
    %dot_general3A_157 = tpu.matmul %max3A_152, %get3A_155, %dot_general3A_156 {dimension_numbers = #tpu.dot_dimension_numbers<[1], [1], [0], [0], [0, 0, 1, 0], [], []>, precision = #tpu.contract_precision<fp32>, transpose_lhs_hint = false} : vector<2048x64xf32>, vector<64x64xf32>, vector<2048x64xf32> -> vector<2048x64xf32>
    %mul3A_158 = vector.broadcast %reshape3A_88 : vector<1x64xf32> to vector<2048x64xf32>
    %mul3A_159 = arith.mulf %dot_general3A_157, %mul3A_158 : vector<2048x64xf32>
    %add3A_160 = vector.broadcast %reshape3A_91 : vector<1x64xf32> to vector<2048x64xf32>
    %add3A_161 = arith.addf %mul3A_159, %add3A_160 : vector<2048x64xf32>
    %max3A_162 = arith.constant 0.000000e+00 : f32
    %max3A_163 = vector.broadcast %max3A_162 : f32 to vector<2048x64xf32>
    %max3A_164 = arith.maximumf %add3A_161, %max3A_163 : vector<2048x64xf32>
    %reshape3A_165 = vector.shape_cast %max3A_164 : vector<2048x64xf32> to vector<128x16x64xf32>
    %reduce_sum3A = arith.constant dense<0.000000e+00> : vector<128x64xf32>
    %reduce_sum3A_166 = vector.multi_reduction <add>, %reshape3A_165, %reduce_sum3A [1] : vector<128x16x64xf32> to vector<128x64xf32>
    %div3A_167 = arith.constant 1.600000e+01 : f32
    %div3A_168 = vector.broadcast %div3A_167 : f32 to vector<128x64xf32>
    %div3A_169 = arith.divf %reduce_sum3A_166, %div3A_168 : vector<128x64xf32>
    %get3A_170 = arith.constant 0 : index
    %get3A_171 = arith.constant 0 : index
    %get3A_172 = vector.load %arg3[%get3A_170, %get3A_171] : memref<128x64xf32, #tpu.memory_space<vmem>>, vector<128x64xf32>
    %mul3A_173 = vector.broadcast %reshape3A_121 : vector<1x64xf32> to vector<128x64xf32>
    %mul3A_174 = arith.mulf %get3A_172, %mul3A_173 : vector<128x64xf32>
    %add3A_175 = vector.broadcast %reshape3A_124 : vector<1x64xf32> to vector<128x64xf32>
    %add3A_176 = arith.addf %mul3A_174, %add3A_175 : vector<128x64xf32>
    %add3A_177 = arith.addf %add3A_176, %div3A_169 : vector<128x64xf32>
    %max3A_178 = arith.constant 0.000000e+00 : f32
    %max3A_179 = vector.broadcast %max3A_178 : f32 to vector<128x64xf32>
    %max3A_180 = arith.maximumf %add3A_177, %max3A_179 : vector<128x64xf32>
    %transpose3A = tpu.transpose %max3A_180, [1, 0] : vector<128x64xf32> -> vector<64x128xf32>
    %swap3A = arith.constant 0 : index
    %swap3A_181 = arith.constant 0 : index
    %swap3A_182 = arith.constant 0 : index
    %swap3A_183 = vector.load %arg11[%swap3A, %swap3A_181, %swap3A_182] : memref<1x64x128xf32, #tpu.memory_space<vmem>>, vector<1x64x128xf32>
    %swap3A_184 = vector.shape_cast %swap3A_183 : vector<1x64x128xf32> to vector<64x128xf32>
    %swap3A_185 = vector.shape_cast %transpose3A : vector<64x128xf32> to vector<1x64x128xf32>
    tpu.vector_store %arg11[%swap3A, %swap3A_181, %swap3A_182], %swap3A_185 {strides = array<i32>} : memref<1x64x128xf32, #tpu.memory_space<vmem>>, vector<1x64x128xf32>,
    return
  }
  func.func @transform_0(%arg0: i32) -> (i32, i32) {
    %c0_i32 = arith.constant 0 : i32
    %c0_i32_0 = arith.constant 0 : i32
    return %arg0, %c0_i32 : i32, i32
  }
  func.func @transform_1(%arg0: i32) -> (i32, i32) {
    %c0_i32 = arith.constant 0 : i32
    %c0_i32_0 = arith.constant 0 : i32
    return %arg0, %c0_i32 : i32, i32
  }
  func.func @transform_2(%arg0: i32) -> (i32, i32) {
    %c0_i32 = arith.constant 0 : i32
    %c0_i32_0 = arith.constant 0 : i32
    return %arg0, %c0_i32 : i32, i32
  }
  func.func @transform_3(%arg0: i32) -> (i32, i32) {
    %c0_i32 = arith.constant 0 : i32
    %c0_i32_0 = arith.constant 0 : i32
    %c0_i32_1 = arith.constant 0 : i32
    return %c0_i32, %c0_i32_0 : i32, i32
  }
  func.func @transform_4(%arg0: i32) -> (i32, i32) {
    %c0_i32 = arith.constant 0 : i32
    %c0_i32_0 = arith.constant 0 : i32
    %c0_i32_1 = arith.constant 0 : i32
    return %c0_i32, %c0_i32_0 : i32, i32
  }
  func.func @transform_5(%arg0: i32) -> (i32, i32) {
    %c0_i32 = arith.constant 0 : i32
    %c0_i32_0 = arith.constant 0 : i32
    %c0_i32_1 = arith.constant 0 : i32
    return %c0_i32, %c0_i32_0 : i32, i32
  }
  func.func @transform_6(%arg0: i32) -> (i32, i32) {
    %c0_i32 = arith.constant 0 : i32
    %c0_i32_0 = arith.constant 0 : i32
    %c0_i32_1 = arith.constant 0 : i32
    return %c0_i32, %c0_i32_0 : i32, i32
  }
  func.func @transform_7(%arg0: i32) -> (i32, i32) {
    %c0_i32 = arith.constant 0 : i32
    %c0_i32_0 = arith.constant 0 : i32
    %c0_i32_1 = arith.constant 0 : i32
    return %c0_i32, %c0_i32_0 : i32, i32
  }
  func.func @transform_8(%arg0: i32) -> (i32, i32) {
    %c0_i32 = arith.constant 0 : i32
    %c0_i32_0 = arith.constant 0 : i32
    %c0_i32_1 = arith.constant 0 : i32
    return %c0_i32, %c0_i32_0 : i32, i32
  }
  func.func @transform_9(%arg0: i32) -> (i32, i32) {
    %c0_i32 = arith.constant 0 : i32
    %c0_i32_0 = arith.constant 0 : i32
    %c0_i32_1 = arith.constant 0 : i32
    return %c0_i32, %c0_i32_0 : i32, i32
  }
  func.func @transform_10(%arg0: i32) -> (i32, i32, i32) {
    %jit3A = arith.constant 8 : i32
    %div3A = arith.divsi %arg0, %jit3A : i32
    %sign3A = arith.constant 0 : i32
    %sign3A_0 = arith.cmpi sgt, %arg0, %sign3A : i32
    %sign3A_1 = arith.extui %sign3A_0 : i1 to i32
    %sign3A_2 = arith.constant 0 : i32
    %sign3A_3 = arith.cmpi slt, %arg0, %sign3A_2 : i32
    %sign3A_4 = arith.extui %sign3A_3 : i1 to i32
    %sign3A_5 = arith.subi %sign3A_1, %sign3A_4 : i32
    %sign3A_6 = arith.constant 0 : i32
    %sign3A_7 = arith.cmpi sgt, %jit3A, %sign3A_6 : i32
    %sign3A_8 = arith.extui %sign3A_7 : i1 to i32
    %sign3A_9 = arith.constant 0 : i32
    %sign3A_10 = arith.cmpi slt, %jit3A, %sign3A_9 : i32
    %sign3A_11 = arith.extui %sign3A_10 : i1 to i32
    %sign3A_12 = arith.subi %sign3A_8, %sign3A_11 : i32
    %ne3A = arith.cmpi ne, %sign3A_5, %sign3A_12 : i32
    %rem3A = arith.remsi %arg0, %jit3A : i32
    %ne3A_13 = arith.constant 0 : i32
    %ne3A_14 = arith.cmpi ne, %rem3A, %ne3A_13 : i32
    %and3A = arith.andi %ne3A, %ne3A_14 : i1
    %sub3A = arith.constant 1 : i32
    %sub3A_15 = arith.subi %div3A, %sub3A : i32
    %select_n3A = arith.select %and3A, %sub3A_15, %div3A : i32
    %jit3A_16 = arith.constant 8 : i32
    %eq3A = arith.constant 0 : i32
    %eq3A_17 = arith.cmpi eq, %jit3A_16, %eq3A : i32
    %jit3A_18 = arith.constant 1 : i32
    %select_n3A_19 = arith.select %eq3A_17, %jit3A_18, %jit3A_16 : i32
    %rem3A_20 = arith.remsi %arg0, %select_n3A_19 : i32
    %ne3A_21 = arith.constant 0 : i32
    %ne3A_22 = arith.cmpi ne, %rem3A_20, %ne3A_21 : i32
    %lt3A = arith.constant 0 : i32
    %lt3A_23 = arith.cmpi slt, %rem3A_20, %lt3A : i32
    %lt3A_24 = arith.constant 0 : i32
    %lt3A_25 = arith.cmpi slt, %select_n3A_19, %lt3A_24 : i32
    %ne3A_26 = arith.xori %lt3A_23, %lt3A_25 : i1
    %and3A_27 = arith.andi %ne3A_26, %ne3A_22 : i1
    %add3A = arith.addi %rem3A_20, %select_n3A_19 : i32
    %select_n3A_28 = arith.select %and3A_27, %add3A, %rem3A_20 : i32
    %c0_i32 = arith.constant 0 : i32
    %c0_i32_29 = arith.constant 0 : i32
    return %select_n3A, %c0_i32, %select_n3A_28 : i32, i32, i32
  }
}

</mosaic_0001>

<sc_bundles>
// kernel: kernel.9.cloned.1.call-start
scs
__scs_entry_jumppad:
0x0: {  	(pc) =	sbr.rel $0x88, $3  }
0x1: {  	(tag) =	ssettag $0x0;
	lr =	simm.s32 $0x1  }
0x2: {  	[smem:$0x3F93] =	sst lr;
	_ =	strace $0xD0000000  }
0x3: {  	_ = 	snop  }
0x4: {  	_ = 	snop  }
0x5: {  	_ = 	snop  }
0x6: {  	_ = 	snop  }
0x7: {  	_ = 	snop  }
__scs_overlays_trampoline_lowered:
0x8: {  	[smem:$0x3FA2] =	sst s0  }
0x9: {  	[smem:$0x3FA3] =	sst s1  }
0xa: {  	[smem:$0x3FA4] =	sst s2  }
0xb: {  	[smem:$0x3FA5] =	sst s3  }
0xc: {  	[smem:$0x3FA6] =	sst s4  }
0xd: {  	[smem:$0x3FA7] =	sst s5  }
0xe: {  	[smem:$0x3FA8] =	sst s6  }
0xf: {  	[smem:$0x3FA9] =	sst s7  }
0x10: {  	[smem:$0x3FAA] =	sst s8  }
0x11: {  	[smem:$0x3FAB] =	sst s9;
	s0 =	simm.s32 @!p0 $0x0  }
0x12: {  	s1 =	sld [smem:$0x3F91];
	s0 =	simm.s32 @p0 $0x1  }
0x13: {  	[smem:$0x3FAC] =	sst s0;
	s0 =	simm.s32 @!p1 $0x0  }
0x14: {  	s2 =	sld [smem:$0x3F90];
	s0 =	simm.s32 @p1 $0x1  }
0x15: {  	[smem:$0x3FAD] =	sst s0;
	s0 =	simm.s32 @!p2 $0x0  }
0x16: {  	s3 =	sld [smem:$0x3FDB];
	s0 =	simm.s32 @p2 $0x1  }
0x17: {  	s4 =	simm.s32 $0x1BF5;
	[smem:$0x3FAF] =	sst s0  }
0x18: {  	s0 =	sld [smem:$0x3F92];
	_ =	swait.ge [sflag:s4], $0x0  }
0x19: {  	s7 =	sld [smem:$0x3F93]  }
0x1a: {  	s8 =	sadd.s32 $0xFFFFE003, lr  }
0x1b: {  	s9 =	sadd.s32 $0xFFFFFEF7, lr;
	s5 =	simm.s32 $0xFFFFFFFF;
	p2 =	slt.u32 s8, $0xFFFFF086  }
0x1c: {  	p1 =	slt.u32 s9, $0xF7A;
	s5 =	simm.s32 @!p2 $0x0  }
0x1d: {  	s5 =	simm.s32 @p1 $0x1;
	p0 =	seq.s32 s7, s2  }
0x1e: {  	s7 =	smul.u32 @!p0 $0xF7A, s2;
	p2 =	seq.s32 @!p0 s5, $0x0  }
0x1f: {  	s9 =	smul.u32 $0xF7A, s1;
	s8 =	simm.s32 @!p0 $0x1BF5;
	p2 =	por !p2, p0  }
0x20: {  	[sflag:s8] =	ssyncset.s32 @!p0 $0xFFFFF086;
	s6 =	sadd.s32 @!p0 s3, s7;
	s7 =	simm.s32 @!p0 $0x108  }
0x21: {  	s3 =	sadd.s32 s3, s9;
	s6 =	sadd.s32 @!p0 $0x88, s6;
	s7 =	simm.s32 @p2 $0x1082  }
0x22: {  	[simem:s7], [sflag:s8] =	dma.local @!p0 [hbm:s6], $0xF7A  }
0x23: {  	s9 =	sor.u32 $0xD0000000, s2;
	s6 =	simm.s32 $0x108;
	_ =	swait.ge @!p0 [sflag:s8], $0x0  }
0x24: {  	s3 =	sadd.s32 $0x88, s3;
	s6 =	simm.s32 @!p1 $0x1082;
	[sflag:s4] =	ssyncset.s32 $0xFFFFF086  }
0x25: {  	[simem:s6], [sflag:s4] =	dma.local [hbm:s3], $0xF7A  }
0x26: {  	[smem:$0x3F93] =	sst s1;
	(tag) =	ssettag s2;
	_ =	strace s9  }
0x27: {  	s1 =	sld [smem:$0x3FA3]  }
0x28: {  	s2 =	sld [smem:$0x3FA4]  }
0x29: {  	s4 =	sld [smem:$0x3FA6]  }
0x2a: {  	p0 =	seq.s32 s5, $0x0;
	s5 =	sld [smem:$0x3FA7]  }
0x2b: {  	s6 =	sld [smem:$0x3FA8]  }
0x2c: {  	s7 =	sld [smem:$0x3FA9]  }
0x2d: {  	s3 =	simm.s32 $0x108;
	s8 =	sld [smem:$0x3FAA]  }
0x2e: {  	s3 =	simm.s32 @!p0 $0x1082;
	s9 =	sld [smem:$0x3FAB]  }
0x2f: {  	lr =	sadd.s32 s0, s3;
	s0 =	sld [smem:$0x3FA2]  }
0x30: {  	s3 =	sld [smem:$0x3FA5]  }
0x31: {  	[smem:$0x3FAE] =	sst s10  }
0x32: {  	s10 =	sld [smem:$0x3FAC];
	_ =	sdelay $0x3  }
0x33: {  	p0 =	seq.s32 s10, $0x1;
	s10 =	sld [smem:$0x3FAE];
	_ =	sdelay $0x3  }
0x34: {  	[smem:$0x3FAE] =	sst s10  }
0x35: {  	s10 =	sld [smem:$0x3FAD];
	_ =	sdelay $0x3  }
0x36: {  	p1 =	seq.s32 s10, $0x1;
	s10 =	sld [smem:$0x3FAE];
	_ =	sdelay $0x3  }
0x37: {  	[smem:$0x3FAE] =	sst s10  }
0x38: {  	s10 =	sld [smem:$0x3FAF]  }
0x39: {  	_ = 	snop;
	(pc) =	sbr.ind lr, $3  }
0x3a: {  	_ = 	snop  }
0x3b: {  	_ = 	snop  }
0x3c: {  	p2 =	seq.s32 s10, $0x1;
	s10 =	sld [smem:$0x3FAE]  }
0x3d: {  	_ =	shalt  }
0x3e: {  	_ =	shalt  }
0x3f: {  	_ =	shalt  }
0x40: {  	_ =	shalt  }
0x41: {  	_ =	shalt  }
0x42: {  	_ =	shalt  }
0x43: {  	_ =	shalt  }
0x44: {  	_ =	shalt  }
0x45: {  	_ =	shalt  }
0x46: {  	_ =	shalt  }
0x47: {  	_ =	shalt  }
0x48: {  	_ =	shalt  }
0x49: {  	_ =	shalt  }
0x4a: {  	_ =	shalt  }
0x4b: {  	_ =	shalt  }
0x4c: {  	_ =	shalt  }
0x4d: {  	_ =	shalt  }
0x4e: {  	_ =	shalt  }
0x4f: {  	_ =	shalt  }
0x50: {  	_ =	shalt  }
0x51: {  	_ =	shalt  }
0x52: {  	_ =	shalt  }
0x53: {  	_ =	shalt  }
0x54: {  	_ =	shalt  }
0x55: {  	_ =	shalt  }
0x56: {  	_ =	shalt  }
0x57: {  	_ =	shalt  }
0x58: {  	_ =	shalt  }
0x59: {  	_ =	shalt  }
0x5a: {  	_ =	shalt  }
0x5b: {  	_ =	shalt  }
0x5c: {  	_ =	shalt  }
0x5d: {  	_ =	shalt  }
0x5e: {  	_ =	shalt  }
0x5f: {  	_ =	shalt  }
0x60: {  	_ =	shalt  }
0x61: {  	_ =	shalt  }
0x62: {  	_ =	shalt  }
0x63: {  	_ =	shalt  }
0x64: {  	_ =	shalt  }
0x65: {  	_ =	shalt  }
0x66: {  	_ =	shalt  }
0x67: {  	_ =	shalt  }
0x68: {  	_ =	shalt  }
0x69: {  	_ =	shalt  }
0x6a: {  	_ =	shalt  }
0x6b: {  	_ =	shalt  }
0x6c: {  	_ =	shalt  }
0x6d: {  	_ =	shalt  }
0x6e: {  	_ =	shalt  }
0x6f: {  	_ =	shalt  }
0x70: {  	_ =	shalt  }
0x71: {  	_ =	shalt  }
0x72: {  	_ =	shalt  }
0x73: {  	_ =	shalt  }
0x74: {  	_ =	shalt  }
0x75: {  	_ =	shalt  }
0x76: {  	_ =	shalt  }
0x77: {  	_ =	shalt  }
0x78: {  	_ =	shalt  }
0x79: {  	_ =	shalt  }
0x7a: {  	_ =	shalt  }
0x7b: {  	_ =	shalt  }
0x7c: {  	_ =	shalt  }
0x7d: {  	_ =	shalt  }
0x7e: {  	_ =	shalt  }
0x7f: {  	_ =	shalt  }
0x80: {  	_ =	shalt  }
0x81: {  	_ =	shalt  }
0x82: {  	_ =	shalt  }
0x83: {  	_ =	shalt  }
0x84: {  	_ =	shalt  }
0x85: {  	_ =	shalt  }
0x86: {  	_ =	shalt  }
0x87: {  	_ =	shalt  }
.Lfunc_end0:
.L_simem_size_0:
called_computation_lowered:
.L_overlay_start_0:
0x88: {  	s2 =	sld [smem:$0x3FD9]  }
0x89: {  	s3 =	sld [smem:$0x3FFE];
	_ =	sdelay $0x1  }
0x8a: {  	s1 =	srdreg.scid  }
0x8b: {  	s0 =	sand.u32 $0x1, s1  }
0x8c: {  	s17 =	sshll.u32 s0, $0xA;
	s2 =	sadd.s32 s3, s2  }
0x8d: {  	s2 =	sadd.s32 s2, s17  }
0x8e: {  	[smem:$0x3FBA] =	sst s2  }
0x8f: {  	_ = 	snop  }
0x90: {  	s2 =	sld [smem:$0x3FD0];
	(tm) =	ssettm $0x1  }
0x91: {  	s18 =	sld [smem:$0x3FFB];
	_ =	sdelay $0x3  }
0x92: {  	_ =	strace s18  }
0x93: {  	s3 =	sld [smem:$0x3FFC];
	_ =	sdelay $0x3  }
0x94: {  	_ =	strace s3  }
0x95: {  	s3 =	sld [smem:$0x3FFD];
	_ =	sdelay $0x3  }
0x96: {  	_ =	strace s3  }
0x97: {  	_ =	strace $0x8FFFFFFF  }
0x98: {  	s19 =	sld [smem:$0x3FDB];
	_ =	sdelay $0x1  }
0x99: {  	s4 =	simm.s32 $_scs_section_size  }
0x9a: {  	s5 =	simm.s32 $_size__tile_overlayer_lowered;
	s6 =	simm.s32 $_tile_overlayer_lowered  }
0x9b: {  	s22 =	simm.s32 $0x1BFF;
	s21 =	sshll.u32 s6, $0x1;
	s3 =	sadd.s32 s4, s19  }
0x9c: {  	s7 =	simm.s32 $0x0;
	s20 =	sshll.u32 s5, $0x1;
	s5 =	sadd.s32 s21, s3  }
0x9d: {  	[timem:s7], [sflag:s22] =	dma.local [hbm:s5], s20  }
0x9e: {  	_ =	swait.ge [sflag:s22], s20  }
0x9f: {  	s4 =	ssub.s32 $0x0, s20;
	[sflag:s22] =	ssyncset.done $0x0  }
0xa0: {  	[sflag:s22] =	ssyncadd.s32 s4;
	_ =	sdelay $0x1  }
0xa1: {  	s23 =	simm.s32 $0x1B8B  }
0xa2: {  	_ =	swait.ge [sflag:s23], $0x1  }
0xa3: {  	[sflag:s23] =	ssyncset.done $0x0  }
0xa4: {  	s25 =	simm.s32 $0x1B8E;
	s24 =	sld [smem:$0x3FFE];
	[sflag:s23] =	ssyncadd.s32 $0xFFFFFFFF  }
0xa5: {  	s26 =	simm.s32 $execute0_lowered;
	[smem:$0x3FD2] =	sst s25  }
0xa6: {  	s5 =	sshll.u32 s26, $0x1;
	_ =	strace $0x80000046;
	[dreg:$0x1] =	wrdreg $0xFFFFFFFF  }
0xa7: {  	s28 =	simm.s32 $_size_execute0_lowered;
	s3 =	sadd.s32 s3, s5;
	[dreg:$0x0] =	wrdreg $0x0  }
0xa8: {  	s5 =	sshll.u32 s28, $0x1;
	[dreg:$0x2] =	wrdreg s3  }
0xa9: {  	[dreg:$0x3] =	wrdreg s5  }
0xaa: {  	[dreg:$0x4] =	wrdreg $0xC0  }
0xab: {  	_ =	task [dreg:s7], $0x5FFFF  }
0xac: {  	[dreg:$0x1] =	wrdreg $0xFFFFFFFF  }
0xad: {  	[dreg:$0x0] =	wrdreg $0x60  }
0xae: {  	[dreg:$0x2] =	wrdreg s2  }
0xaf: {  	[dreg:$0x3] =	wrdreg s24  }
0xb0: {  	[dreg:$0x4] =	wrdreg $0x9  }
0xb1: {  	_ =	task.clear_ibuf [dreg:s7], $0x5FFFF;
	_ =	strace $0x90000046  }
0xb2: {  	s29 =	simm.s32 $0x9;
	_ =	strace $0x80000048  }
0xb3: {  	_ =	swait.ge [sflag:s29], $0x1  }
0xb4: {  	[sflag:s29] =	ssyncadd.s32 $0xFFFFFFFF  }
0xb5: {  	_ =	strace $0x90000048  }
0xb6: {  	_ =	sfence  }
0xb7: {  	s30 =	sld [smem:$0x0];
	_ =	sdelay $0x2  }
0xb8: {  	s31 =	sshll.u32 s1, $0xD;
	s1 =	sshrl.u32 s1, $0x2  }
0xb9: {  	s3 =	sand.u32 $0x4000, s31;
	s1 =	sadd.s32 s1, s30  }
0xba: {  	s0 =	sor.u32 s3, s0;
	s1 =	sshll.u32 s1, $0x11  }
0xbb: {  	s0 =	sor.u32 s1, s0  }
0xbc: {  	s0 =	sadd.s32 $0x8F2B, s0  }
0xbd: {  	[sflag:s0] =	ssyncadd.remote.s32 $0x1  }
0xbe: {  	_ =	sfence.sel $0xFFFF  }
0xbf: {  	[dreg:$0x0] =	wrdreg $0xFFFFFFFF;
	(pc) =	sbr.abs _section_cstart, $3  }
0xc0: {  	[dreg:$0x1] =	wrdreg $0xFFFFFFFF  }
0xc1: {  	_ =	task.clear_ibuf [dreg:s7], $0x2FFFF;
	_ =	strace $0x9FFFFFFF  }
0xc2: {  	(tm) =	ssettm $0x7FFFFFFF  }
0xc3: {  	_ =	shalt  }
tec
execute0_lowered:
.L_overlay_start_1:
0x0: {  	(tag) =	ssettag $0x1  }
0x1: {  	s1 =	rddreg [dreg:$0x0]  }
0x2: {  	s4 =	rddreg [dreg:$0x1]  }
0x3: {  	s0 =	rddreg [dreg:$0x2];
	s5 =	srdreg.scid  }
0x4: {  	s3 =	simm.s32 $0x0;
	s2 =	stileid.u32;
	s10 =	simm.s32 $0x0  }
0x5: {  	s5 =	sand.u32 $0x1, s5;
	[smem:$0x7FF] =	sst s3;
	s6 =	sshll.u32 s2, $0xF  }
0x6: {  	s8 =	sshll.u32 s2, $0x12;
	s7 =	sshll.u32 s5, $0xE;
	_ =	strace $0x80000047  }
0x7: {  	s31 =	ssub.s32 $0x2, s5;
	s8 =	sadd.s32 s8, s4;
	s5 =	sshll.u32 s5, $0x11  }
0x8: {  	s6 =	sor.u32 s7, s6;
	s9 =	sshrl.u32 s31, $0x1;
	s5 =	sadd.s32 s5, s8  }
0x9: {  	s8 =	simm.s32 $0x80;
	s6 =	sshrl.u32 s6, $0x3;
	s7 =	ssub.s32 s31, s9  }
0xa: {  	s5 =	sadd.s32 $0x182C00, s5;
	s9 =	simm.s32 $0x1;
	s6 =	sadd.s32 s6, s4  }
0xb: {  	s4 =	smax.u32 s7, $0x1;
	s7 =	simm.s32 $0x2;
	s6 =	sadd.s32 $0x2A00, s6  }
.LBB2_1:
0xc: {  	s11 =	sadd.s32 $0x0, s6  }
0xd: {  	[tilespmem:s3], [sflag:$0x2] =	stream.linear.gather [hbm4b:s11+s3], $0x80, $0x38;
	[tilespmem:$0x2080] =	vst v63  }
0xe: {  	_ =	swait.ge [sflag:s7], $0x80  }
0xf: {  	[sflag:s7] =	ssyncset.done $0x0  }
0x10: {  	[sflag:s7] =	ssyncadd.s32 $0xFFFFFF80  }
0x11: {  	[tilespmem:s8], [sflag:$0x1] =	stream.indirect.gather [hbm4b:s1+s8], $0x40, s3, s8, $0xb8;
	[tilespmem:$0x2080] =	vst v63  }
0x12: {  	_ =	swait.ge [sflag:s9], $0x2000  }
0x13: {  	[sflag:s9] =	ssyncset.done $0x0  }
0x14: {  	[sflag:s9] =	ssyncadd.s32 $0xFFFFE000  }
0x15: {  	[hbm4b:s5+s3] =	stream.linear.scatter [tilespmem:s8], [sflag:$0x2], $0x2000, $0x38;
	[tilespmem:$0x2080] =	vst v63  }
0x16: {  	s12 =	simm.s32 $0x10;
	_ =	swait.ge [sflag:s7], $0x2000  }
0x17: {  	s13 =	simm.s32 $0x20;
	s11 =	sadd.s32 $0x400, s5;
	[sflag:s7] =	ssyncset.done $0x0  }
.LBB2_2:
0x18: {  	s14 =	sadd.s32 s12, s6  }
0x19: {  	[sflag:s7] =	ssyncadd.s32 $0xFFFFE000;
	s12 =	smov.u32 s13;
	s15 =	sadd.s32 $0x10, s13  }
0x1a: {  	[tilespmem:s3], [sflag:$0x2] =	stream.linear.gather [hbm4b:s14+s3], $0x80, $0x38;
	[tilespmem:$0x2080] =	vst v63  }
0x1b: {  	p0 =	sne.s32 s13, $0x7F0;
	_ =	swait.ge [sflag:s7], $0x80  }
0x1c: {  	[sflag:s7] =	ssyncset.done $0x0  }
0x1d: {  	[sflag:s7] =	ssyncadd.s32 $0xFFFFFF80  }
0x1e: {  	[tilespmem:s8], [sflag:$0x1] =	stream.indirect.gather [hbm4b:s1+s8], $0x40, s3, s8, $0xb8;
	[tilespmem:$0x2080] =	vst v63  }
0x1f: {  	_ =	swait.ge [sflag:s9], $0x2000  }
.Ltmp0:
0x20: {  	[sflag:s9] =	ssyncset.done $0x0;
	(pc) =	sbr.rel @p0 .LBB2_2-.Ltmp0, $4  }
0x21: {  	[sflag:s9] =	ssyncadd.s32 $0xFFFFE000  }
0x22: {  	[hbm4b:s11+s3] =	stream.linear.scatter [tilespmem:s8], [sflag:$0x2], $0x2000, $0x38;
	[tilespmem:$0x2080] =	vst v63  }
0x23: {  	_ =	swait.ge [sflag:s7], $0x2000  }
0x24: {  	s13 =	smov.u32 s15;
	s11 =	sadd.s32 $0x400, s11;
	[sflag:s7] =	ssyncset.done $0x0  }
0x25: {  	s12 =	sadd.s32 s12, s6;
	[sflag:s7] =	ssyncadd.s32 $0xFFFFE000  }
0x26: {  	[tilespmem:s3], [sflag:$0x2] =	stream.linear.gather [hbm4b:s12+s3], $0x80, $0x38;
	[tilespmem:$0x2080] =	vst v63  }
0x27: {  	_ =	swait.ge [sflag:s7], $0x80  }
0x28: {  	[sflag:s7] =	ssyncset.done $0x0  }
0x29: {  	[sflag:s7] =	ssyncadd.s32 $0xFFFFFF80  }
0x2a: {  	[tilespmem:s8], [sflag:$0x1] =	stream.indirect.gather [hbm4b:s1+s8], $0x40, s3, s8, $0xb8;
	[tilespmem:$0x2080] =	vst v63  }
0x2b: {  	s10 =	sadd.s32 $0x1, s10;
	_ =	swait.ge [sflag:s9], $0x2000  }
0x2c: {  	p0 =	sne.s32 s10, s4;
	[sflag:s9] =	ssyncset.done $0x0  }
.Ltmp1:
0x2d: {  	[sflag:s9] =	ssyncadd.s32 $0xFFFFE000;
	(pc) =	sbr.rel @p0 .LBB2_1-.Ltmp1, $4  }
0x2e: {  	[hbm4b:s11+s3] =	stream.linear.scatter [tilespmem:s8], [sflag:$0x2], $0x2000, $0x38;
	[tilespmem:$0x2080] =	vst v63  }
0x2f: {  	_ =	swait.ge [sflag:s7], $0x2000  }
0x30: {  	[sflag:s7] =	ssyncset.done $0x0  }
0x31: {  	[sflag:s7] =	ssyncadd.s32 $0xFFFFE000  }
0x32: {  	_ =	sfence.sel $0x180000  }
0x33: {  	[bflag:$0x0] =	sbarrier.arrive $0xFFFF  }
0x34: {  	p0 =	sne.s32 s2, $0x0;
	_ =	strace $0x90000047  }
0x35: {  	s0 =	sadd.s32 @!p0 $0x100000, s0;
	[bflag:$0x2] =	sbarrier.arrive $0xFFFF  }
0x36: {  	[sflag:s0] =	ssyncadd.tile.s32 @!p0 $0x1;
	_ =	shalt  }
.Lfunc_end2:
_tile_overlayer_lowered:
.L_overlay_start_2:
0x37: {  	(tag) =	ssettag $0x2  }
0x38: {  	s0 =	rddreg [dreg:$0x0];
	s2 =	stileid.u32  }
0x39: {  	s1 =	rddreg [dreg:$0x1];
	p0 =	sne.s32 s2, $0x0  }
0x3a: {  	s3 =	rddreg [dreg:$0x2];
	[bflag:$0x3] =	sbarrier.arrive $0xFFFF;
	s2 =	simm.s32 @!p0 $0x1C02  }
0x3b: {  	[timem:s3], [sflag:s2] =	dma.local @!p0 [hbm:s0], s1  }
0x3c: {  	s0 =	simm.s32 @!p0 $0x2  }
0x3d: {  	_ =	swait.ge @!p0 [sflag:s0], s1  }
0x3e: {  	s1 =	ssub.s32 @!p0 $0x0, s1;
	[sflag:s0] =	ssyncset.done @!p0 $0x0  }
0x3f: {  	[sflag:s0] =	ssyncadd.s32 @!p0 s1  }
0x40: {  	[bflag:$0x3] =	sbarrier.arrive $0xFFFF  }
0x41: {  	_ =	shalt  }

</sc_bundles>
